<compile_context>
chip_gen: v7x
topology: tpu7x:2x2x1
jax: 0.10.2.dev20260603
libtpu: 0.0.44.dev20260713+nightly
codegen_flags: <defaults>
</compile_context>

<pallas_src>
import functools

import jax
import jax.numpy as jnp
from jax import lax
from jax.experimental import pallas as pl
from jax.experimental.pallas import tpu as pltpu
from jax.experimental.pallas import tpu_sc as plsc

NC = 2
NS = 16
NW = NC * NS
L = 16
E = 16
CH = 128

_MESH = dict(core_axis_name="c", subcore_axis_name="s")
_PARAMS = pltpu.CompilerParams(
    use_tc_tiling_on_sc=False, needs_layout_passes=False)


def _sc_user(ut_flat, ubias, uidx, lim):
    B = uidx.shape[0]
    bw = B // NW
    tcols = ut_flat.shape[0] // (2 * 8 * 128)

    @functools.partial(
        pl.kernel,
        out_type=(
            jax.ShapeDtypeStruct((B * E,), jnp.float32),
            jax.ShapeDtypeStruct((B,), jnp.float32),
        ),
        mesh=plsc.VectorSubcoreMesh(**_MESH),
        compiler_params=_PARAMS,
        scratch_types=[
            pltpu.VMEM((bw,), jnp.int32),
            pltpu.VMEM((bw,), jnp.int32),
            pltpu.VMEM((E * bw,), jnp.float32),
            pltpu.VMEM((bw,), jnp.float32),
            pltpu.SemaphoreType.DMA,
        ],
    )
    def k(ut_h, ub_h, uidx_h, ug_o, ubo, uidx_v, uaddr_v, ug, ubg, sem):
        wid = lax.axis_index("s") * NC + lax.axis_index("c")
        base = wid * bw
        pltpu.sync_copy(uidx_h.at[pl.ds(base, bw)], uidx_v)

        def addr_body(i, _):
            sl = pl.ds(i * L, L)
            r = uidx_v[sl]
            uaddr_v[sl] = ((r >> 7) << 10) + (r & 127)
            return 0

        lax.fori_loop(0, bw // L, addr_body, 0)
        seg_len = tcols * 8 * 128
        copies = [pltpu.async_copy(
            ut_h.at[pl.ds((d // 8) * seg_len + (d % 8) * 128,
                          seg_len - (d % 8) * 128)].at[uaddr_v],
            ug.at[pl.ds(d * bw, bw)], sem)
                  for d in range(E)]
        for j in range(bw // CH):
            sl = pl.ds(j * CH, CH)
            copies.append(pltpu.async_copy(ub_h.at[uidx_v.at[sl]], ubg.at[sl], sem))
        for c in copies:
            c.wait()
        pltpu.sync_copy(ug, ug_o.at[pl.ds(base * E, bw * E)])
        pltpu.sync_copy(ubg, ubo.at[pl.ds(base, bw)])

    return k(ut_flat, ubias, uidx)


def _sc_hotel(ht_flat, hbias, hidx, ug_all, lim):
    B = hidx.shape[0]
    bw = B // NW
    tcols = ht_flat.shape[0] // (2 * 8 * 128)

    @functools.partial(
        pl.kernel,
        out_type=(
            jax.ShapeDtypeStruct((NW * L,), jnp.float32),
            jax.ShapeDtypeStruct((B,), jnp.float32),
        ),
        mesh=plsc.VectorSubcoreMesh(**_MESH),
        compiler_params=_PARAMS,
        scratch_types=[
            pltpu.VMEM((bw,), jnp.int32),
            pltpu.VMEM((bw,), jnp.int32),
            pltpu.VMEM((E * bw,), jnp.float32),
            pltpu.VMEM((E * bw,), jnp.float32),
            pltpu.VMEM((bw,), jnp.float32),
            pltpu.VMEM((L,), jnp.float32),
            pltpu.SemaphoreType.DMA,
            pltpu.SemaphoreType.DMA,
        ],
    )
    def k(ht_h, hb_h, hidx_h, ug_h, part_o, hbo,
          hidx_v, haddr_v, hg, ug, hbg, accv, sem, bsem):
        wid = lax.axis_index("s") * NC + lax.axis_index("c")
        base = wid * bw
        pltpu.sync_copy(hidx_h.at[pl.ds(base, bw)], hidx_v)
        ucopy = pltpu.async_copy(ug_h.at[pl.ds(base * E, bw * E)], ug, bsem)

        def addr_body(i, _):
            sl = pl.ds(i * L, L)
            r = hidx_v[sl]
            haddr_v[sl] = ((r >> 7) << 10) + (r & 127)
            return 0

        lax.fori_loop(0, bw // L, addr_body, 0)
        seg_len = tcols * 8 * 128
        copies = [pltpu.async_copy(
            ht_h.at[pl.ds((d // 8) * seg_len + (d % 8) * 128,
                          seg_len - (d % 8) * 128)].at[haddr_v],
            hg.at[pl.ds(d * bw, bw)], sem)
                  for d in range(E)]
        bcopies = []
        for j in range(bw // CH):
            sl = pl.ds(j * CH, CH)
            bcopies.append(pltpu.async_copy(hb_h.at[hidx_v.at[sl]], hbg.at[sl], bsem))
        ucopy.wait()
        nvd = bw // L
        acc = jnp.zeros((L,), jnp.float32)
        for d in range(E):
            copies[d].wait()

            def dot_body(i, a, d=d):
                sl = pl.ds(d * bw + i * L, L)
                return a + ug[sl] * hg[sl]

            acc = lax.fori_loop(0, nvd, dot_body, acc)
        accv[...] = acc
        pltpu.sync_copy(accv, part_o.at[pl.ds(wid * L, L)])
        for c in bcopies:
            c.wait()
        pltpu.sync_copy(hbg, hbo.at[pl.ds(base, bw)])

    return k(ht_flat, hbias, hidx, ug_all)


def _tc_finish(partials, ub, hb):

    def body(part_ref, ub_ref, hb_ref, o_ref):
        s = jnp.sum(part_ref[...])
        o_ref[...] = jax.nn.sigmoid(ub_ref[...] + hb_ref[...] + s)

    return pl.pallas_call(
        body,
        out_shape=jax.ShapeDtypeStruct(ub.shape, jnp.float32),
    )(partials, ub, hb)


def kernel(inputs, user_emb, user_bias, hotel_emb, hotel_bias):
    B = inputs.shape[0]
    uidx = inputs[:, 0].astype(jnp.int32)
    hidx = inputs[:, 1].astype(jnp.int32)
    lim = min(user_emb.shape[0], hotel_emb.shape[0])
    limp = ((lim + 127) // 128) * 128

    def tiled_view(t):
        tp = jnp.pad(t, ((0, limp - t.shape[0]), (0, 0))) if t.shape[0] < limp else t[:limp]
        return (tp.T.reshape(2, 8, limp // 128, 128)
                .transpose(0, 2, 1, 3).reshape(-1))

    hg_all, hbg = _sc_user(
        tiled_view(hotel_emb), hotel_bias.reshape(-1)[:lim], hidx, lim)
    partials, ubg = _sc_hotel(
        tiled_view(user_emb), user_bias.reshape(-1)[:lim], uidx, hg_all, lim)
    out = _tc_finish(partials.reshape(4, 128),
                     ubg.reshape(B // 128, 128),
                     hbg.reshape(B // 128, 128))
    return out.reshape(B, 1)

# --- scband reference (transcript-rebuilt; emitter-appended) ---
"""Pipeline reference for scband-recommender-net-13099650253259 (READ-ONLY COPY).

The authoritative reference and input builder live on the scoring server;
editing this copy changes nothing except your own understanding.
"""

import jax, jax.numpy as jnp
import numpy as np

NUM_USERS = 1000000
NUM_HOTELS = 100000
EMBED = 16
BATCH = 16384

def setup_inputs(seed: int = 0) -> dict:
    key = jax.random.key(seed)
    k1, k2, k3, k4, k5 = jax.random.split(key, 5)
    # indices valid for both tables: values < min(NUM_USERS, NUM_HOTELS)
    inputs = jax.random.randint(k1, (BATCH, 2), 0, 100000, dtype=jnp.int64 if jax.config.jax_enable_x64 else jnp.int32)
    # he_normal-ish init for embeddings (stddev = sqrt(2/fan_in))
    user_emb = jax.random.normal(k2, (NUM_USERS, EMBED), dtype=jnp.float32) * np.sqrt(2.0 / EMBED)
    user_bias = jax.random.normal(k3, (NUM_USERS, 1), dtype=jnp.float32) * 0.05
    hotel_emb = jax.random.normal(k4, (NUM_HOTELS, EMBED), dtype=jnp.float32) * np.sqrt(2.0 / EMBED)
    hotel_bias = jax.random.normal(k5, (NUM_HOTELS, 1), dtype=jnp.float32) * 0.05
    return {"inputs": inputs, "user_emb": user_emb, "user_bias": user_bias, "hotel_emb": hotel_emb, "hotel_bias": hotel_bias}

def reference(inputs, user_emb, user_bias, hotel_emb, hotel_bias):
    user_vector = jnp.take(user_emb, inputs[:, 0], axis=0)      # [B, E]
    ub = jnp.take(user_bias, inputs[:, 0], axis=0)               # [B, 1]
    hotel_vector = jnp.take(hotel_emb, inputs[:, 1], axis=0)     # [B, E]
    hb = jnp.take(hotel_bias, inputs[:, 1], axis=0)              # [B, 1]
    # Faithful to tf.tensordot(user_vector, hotel_vector, 2): full contraction -> scalar
    dot_user_hotel = jnp.tensordot(user_vector, hotel_vector, axes=2)
    x = dot_user_hotel + ub + hb                                  # broadcasts to [B, 1]
    return jax.nn.sigmoid(x)

if __name__ == "__main__":
    import jax
    _d = setup_inputs()
    print(jax.jit(kernel)(*tuple(_d.values())))

</pallas_src>

<mosaic_0001>
#map = affine_map<(d0, d1) -> (0)>
module attributes {stable_mosaic.version = 14 : i64} {
  func.func @k(%arg0: i32, %arg1: i32, %arg2: memref<1601536xf32, #tpu.memory_space<hbm>>, %arg3: memref<100000xf32, #tpu.memory_space<hbm>>, %arg4: memref<16384xi32, #tpu.memory_space<hbm>>, %arg5: memref<262144xf32, #tpu.memory_space<hbm>>, %arg6: memref<16384xf32, #tpu.memory_space<hbm>>, %arg7: memref<512xi32, #tpu.memory_space<vmem>>, %arg8: memref<512xi32, #tpu.memory_space<vmem>>, %arg9: memref<8192xf32, #tpu.memory_space<vmem>>, %arg10: memref<512xf32, #tpu.memory_space<vmem>>, %arg11: memref<!tpu.dma_semaphore, #tpu.memory_space<semaphore_mem>>) attributes {dimension_semantics = [#tpu.dimension_semantics<core_parallel>, #tpu.dimension_semantics<subcore_parallel>], iteration_bounds = array<i64: 2, 16>, scalar_prefetch = 0 : i64, scratch_operands = 5 : i64, tpu.core_type = #tpu.core_type<sc_vector_subcore>, window_params = [{transform_indices = #map}, {transform_indices = #map}, {transform_indices = #map}, {transform_indices = #map}, {transform_indices = #map}]} {
    %mul3A = arith.constant 2 : i32
    %mul3A_0 = arith.muli %arg1, %mul3A : i32
    %add3A = arith.addi %mul3A_0, %arg0 : i32
    %mul3A_1 = arith.constant 512 : i32
    %mul3A_2 = arith.muli %add3A, %mul3A_1 : i32
    "tpu.region"() ({
      %run_scoped3A = tpu.sem_alloc : memref<!tpu.dma_semaphore, #tpu.memory_space<semaphore_mem>>
      %dma_start3A_249 = tpu.memref_slice %arg4[%mul3A_2] : memref<16384xi32, #tpu.memory_space<hbm>> -> memref<512xi32, #tpu.memory_space<hbm>>
      %dma_start3A_250 = tpu.memref_slice %arg4[%mul3A_2] : memref<16384xi32, #tpu.memory_space<hbm>> -> memref<512xi32, #tpu.memory_space<hbm>>
      tpu.enqueue_dma source(%dma_start3A_250 : memref<512xi32, #tpu.memory_space<hbm>>) target(%arg7 : memref<512xi32, #tpu.memory_space<vmem>>) target_semaphore(%run_scoped3A : memref<!tpu.dma_semaphore, #tpu.memory_space<semaphore_mem>>)
      %dma_wait3A_251 = tpu.memref_slice %arg4[%mul3A_2] : memref<16384xi32, #tpu.memory_space<hbm>> -> memref<512xi32, #tpu.memory_space<hbm>>
      %dma_wait3A_252 = tpu.memref_slice %arg4[%mul3A_2] : memref<16384xi32, #tpu.memory_space<hbm>> -> memref<512xi32, #tpu.memory_space<hbm>>
      tpu.wait_dma2 semaphore(%run_scoped3A : memref<!tpu.dma_semaphore, #tpu.memory_space<semaphore_mem>>) src(%dma_wait3A_252 : memref<512xi32, #tpu.memory_space<hbm>>) dst(%arg7 : memref<512xi32, #tpu.memory_space<vmem>>)
      tpu.yield
    }) : () -> ()
    %scan3A = arith.constant 0 : i32
    %scan3A_3 = arith.constant 0 : i32
    %scan3A_4 = arith.constant 32 : i32
    %scan3A_5 = arith.addi %scan3A_3, %scan3A_4 : i32
    %scan3A_6 = arith.constant 1 : i32
    %scan3A_7 = scf.for %scan3A_249 = %scan3A_3 to %scan3A_5 step %scan3A_6 iter_args(%scan3A_250 = %scan3A) -> (i32)  : i32 {
      %mul3A_251 = arith.constant 16 : i32
      %mul3A_252 = arith.muli %scan3A_249, %mul3A_251 : i32
      %get3A = arith.index_cast %mul3A_252 : i32 to index
      %get3A_253 = tpu.vector_load %arg7[%get3A] {strides = array<i32>} : memref<512xi32, #tpu.memory_space<vmem>>, vector<16xi32>,
      %shift_right_arithmetic3A = arith.constant 7 : i32
      %shift_right_arithmetic3A_254 = vector.broadcast %shift_right_arithmetic3A : i32 to vector<16xi32>
      %shift_right_arithmetic3A_255 = arith.shrsi %get3A_253, %shift_right_arithmetic3A_254 : vector<16xi32>
      %shift_left3A = arith.constant 10 : i32
      %shift_left3A_256 = vector.broadcast %shift_left3A : i32 to vector<16xi32>
      %shift_left3A_257 = arith.shli %shift_right_arithmetic3A_255, %shift_left3A_256 : vector<16xi32>
      %and3A = arith.constant 127 : i32
      %and3A_258 = vector.broadcast %and3A : i32 to vector<16xi32>
      %and3A_259 = arith.andi %get3A_253, %and3A_258 : vector<16xi32>
      %add3A_260 = arith.addi %shift_left3A_257, %and3A_259 : vector<16xi32>
      %swap3A = arith.index_cast %mul3A_252 : i32 to index
      %swap3A_261 = tpu.vector_load %arg8[%swap3A] {strides = array<i32>} : memref<512xi32, #tpu.memory_space<vmem>>, vector<16xi32>,
      tpu.vector_store %arg8[%swap3A], %add3A_260 {strides = array<i32>} : memref<512xi32, #tpu.memory_space<vmem>>, vector<16xi32>,
      %scan3A_262 = arith.constant 0 : i32
      scf.yield %scan3A_262 : i32
    }
    %scan3A_8 = arith.constant 32 : i32
    %dma_start3A = arith.constant 0 : i32
    %dma_start3A_9 = tpu.memref_slice %arg9[%dma_start3A] : memref<8192xf32, #tpu.memory_space<vmem>> -> memref<512xf32, #tpu.memory_space<vmem>>
    %dma_start3A_10 = arith.constant 0 : i32
    %dma_start3A_11 = tpu.memref_slice %arg2[%dma_start3A_10] : memref<1601536xf32, #tpu.memory_space<hbm>> -> memref<800768xf32, #tpu.memory_space<hbm>>
    %dma_start3A_12 = arith.constant 0 : i32
    %dma_start3A_13 = tpu.memref_slice %dma_start3A_11[%dma_start3A_12] : memref<800768xf32, #tpu.memory_space<hbm>> -> memref<800768xf32, #tpu.memory_space<hbm>>
    tpu.enqueue_indirect_dma source(%dma_start3A_13 : memref<800768xf32, #tpu.memory_space<hbm>>) target(%dma_start3A_9 : memref<512xf32, #tpu.memory_space<vmem>>) offsets(%arg8 : memref<512xi32, #tpu.memory_space<vmem>>) semaphore(%arg11 : memref<!tpu.dma_semaphore, #tpu.memory_space<semaphore_mem>>)
    %dma_start3A_14 = arith.constant 512 : i32
    %dma_start3A_15 = tpu.memref_slice %arg9[%dma_start3A_14] : memref<8192xf32, #tpu.memory_space<vmem>> -> memref<512xf32, #tpu.memory_space<vmem>>
    %dma_start3A_16 = arith.constant 128 : i32
    %dma_start3A_17 = tpu.memref_slice %arg2[%dma_start3A_16] : memref<1601536xf32, #tpu.memory_space<hbm>> -> memref<800640xf32, #tpu.memory_space<hbm>>
    %dma_start3A_18 = arith.constant 0 : i32
    %dma_start3A_19 = tpu.memref_slice %dma_start3A_17[%dma_start3A_18] : memref<800640xf32, #tpu.memory_space<hbm>> -> memref<800640xf32, #tpu.memory_space<hbm>>
    tpu.enqueue_indirect_dma source(%dma_start3A_19 : memref<800640xf32, #tpu.memory_space<hbm>>) target(%dma_start3A_15 : memref<512xf32, #tpu.memory_space<vmem>>) offsets(%arg8 : memref<512xi32, #tpu.memory_space<vmem>>) semaphore(%arg11 : memref<!tpu.dma_semaphore, #tpu.memory_space<semaphore_mem>>)
    %dma_start3A_20 = arith.constant 1024 : i32
    %dma_start3A_21 = tpu.memref_slice %arg9[%dma_start3A_20] : memref<8192xf32, #tpu.memory_space<vmem>> -> memref<512xf32, #tpu.memory_space<vmem>>
    %dma_start3A_22 = arith.constant 256 : i32
    %dma_start3A_23 = tpu.memref_slice %arg2[%dma_start3A_22] : memref<1601536xf32, #tpu.memory_space<hbm>> -> memref<800512xf32, #tpu.memory_space<hbm>>
    %dma_start3A_24 = arith.constant 0 : i32
    %dma_start3A_25 = tpu.memref_slice %dma_start3A_23[%dma_start3A_24] : memref<800512xf32, #tpu.memory_space<hbm>> -> memref<800512xf32, #tpu.memory_space<hbm>>
    tpu.enqueue_indirect_dma source(%dma_start3A_25 : memref<800512xf32, #tpu.memory_space<hbm>>) target(%dma_start3A_21 : memref<512xf32, #tpu.memory_space<vmem>>) offsets(%arg8 : memref<512xi32, #tpu.memory_space<vmem>>) semaphore(%arg11 : memref<!tpu.dma_semaphore, #tpu.memory_space<semaphore_mem>>)
    %dma_start3A_26 = arith.constant 1536 : i32
    %dma_start3A_27 = tpu.memref_slice %arg9[%dma_start3A_26] : memref<8192xf32, #tpu.memory_space<vmem>> -> memref<512xf32, #tpu.memory_space<vmem>>
    %dma_start3A_28 = arith.constant 384 : i32
    %dma_start3A_29 = tpu.memref_slice %arg2[%dma_start3A_28] : memref<1601536xf32, #tpu.memory_space<hbm>> -> memref<800384xf32, #tpu.memory_space<hbm>>
    %dma_start3A_30 = arith.constant 0 : i32
    %dma_start3A_31 = tpu.memref_slice %dma_start3A_29[%dma_start3A_30] : memref<800384xf32, #tpu.memory_space<hbm>> -> memref<800384xf32, #tpu.memory_space<hbm>>
    tpu.enqueue_indirect_dma source(%dma_start3A_31 : memref<800384xf32, #tpu.memory_space<hbm>>) target(%dma_start3A_27 : memref<512xf32, #tpu.memory_space<vmem>>) offsets(%arg8 : memref<512xi32, #tpu.memory_space<vmem>>) semaphore(%arg11 : memref<!tpu.dma_semaphore, #tpu.memory_space<semaphore_mem>>)
    %dma_start3A_32 = arith.constant 2048 : i32
    %dma_start3A_33 = tpu.memref_slice %arg9[%dma_start3A_32] : memref<8192xf32, #tpu.memory_space<vmem>> -> memref<512xf32, #tpu.memory_space<vmem>>
    %dma_start3A_34 = arith.constant 512 : i32
    %dma_start3A_35 = tpu.memref_slice %arg2[%dma_start3A_34] : memref<1601536xf32, #tpu.memory_space<hbm>> -> memref<800256xf32, #tpu.memory_space<hbm>>
    %dma_start3A_36 = arith.constant 0 : i32
    %dma_start3A_37 = tpu.memref_slice %dma_start3A_35[%dma_start3A_36] : memref<800256xf32, #tpu.memory_space<hbm>> -> memref<800256xf32, #tpu.memory_space<hbm>>
    tpu.enqueue_indirect_dma source(%dma_start3A_37 : memref<800256xf32, #tpu.memory_space<hbm>>) target(%dma_start3A_33 : memref<512xf32, #tpu.memory_space<vmem>>) offsets(%arg8 : memref<512xi32, #tpu.memory_space<vmem>>) semaphore(%arg11 : memref<!tpu.dma_semaphore, #tpu.memory_space<semaphore_mem>>)
    %dma_start3A_38 = arith.constant 2560 : i32
    %dma_start3A_39 = tpu.memref_slice %arg9[%dma_start3A_38] : memref<8192xf32, #tpu.memory_space<vmem>> -> memref<512xf32, #tpu.memory_space<vmem>>
    %dma_start3A_40 = arith.constant 640 : i32
    %dma_start3A_41 = tpu.memref_slice %arg2[%dma_start3A_40] : memref<1601536xf32, #tpu.memory_space<hbm>> -> memref<800128xf32, #tpu.memory_space<hbm>>
    %dma_start3A_42 = arith.constant 0 : i32
    %dma_start3A_43 = tpu.memref_slice %dma_start3A_41[%dma_start3A_42] : memref<800128xf32, #tpu.memory_space<hbm>> -> memref<800128xf32, #tpu.memory_space<hbm>>
    tpu.enqueue_indirect_dma source(%dma_start3A_43 : memref<800128xf32, #tpu.memory_space<hbm>>) target(%dma_start3A_39 : memref<512xf32, #tpu.memory_space<vmem>>) offsets(%arg8 : memref<512xi32, #tpu.memory_space<vmem>>) semaphore(%arg11 : memref<!tpu.dma_semaphore, #tpu.memory_space<semaphore_mem>>)
    %dma_start3A_44 = arith.constant 3072 : i32
    %dma_start3A_45 = tpu.memref_slice %arg9[%dma_start3A_44] : memref<8192xf32, #tpu.memory_space<vmem>> -> memref<512xf32, #tpu.memory_space<vmem>>
    %dma_start3A_46 = arith.constant 768 : i32
    %dma_start3A_47 = tpu.memref_slice %arg2[%dma_start3A_46] : memref<1601536xf32, #tpu.memory_space<hbm>> -> memref<800000xf32, #tpu.memory_space<hbm>>
    %dma_start3A_48 = arith.constant 0 : i32
    %dma_start3A_49 = tpu.memref_slice %dma_start3A_47[%dma_start3A_48] : memref<800000xf32, #tpu.memory_space<hbm>> -> memref<800000xf32, #tpu.memory_space<hbm>>
    tpu.enqueue_indirect_dma source(%dma_start3A_49 : memref<800000xf32, #tpu.memory_space<hbm>>) target(%dma_start3A_45 : memref<512xf32, #tpu.memory_space<vmem>>) offsets(%arg8 : memref<512xi32, #tpu.memory_space<vmem>>) semaphore(%arg11 : memref<!tpu.dma_semaphore, #tpu.memory_space<semaphore_mem>>)
    %dma_start3A_50 = arith.constant 3584 : i32
    %dma_start3A_51 = tpu.memref_slice %arg9[%dma_start3A_50] : memref<8192xf32, #tpu.memory_space<vmem>> -> memref<512xf32, #tpu.memory_space<vmem>>
    %dma_start3A_52 = arith.constant 896 : i32
    %dma_start3A_53 = tpu.memref_slice %arg2[%dma_start3A_52] : memref<1601536xf32, #tpu.memory_space<hbm>> -> memref<799872xf32, #tpu.memory_space<hbm>>
    %dma_start3A_54 = arith.constant 0 : i32
    %dma_start3A_55 = tpu.memref_slice %dma_start3A_53[%dma_start3A_54] : memref<799872xf32, #tpu.memory_space<hbm>> -> memref<799872xf32, #tpu.memory_space<hbm>>
    tpu.enqueue_indirect_dma source(%dma_start3A_55 : memref<799872xf32, #tpu.memory_space<hbm>>) target(%dma_start3A_51 : memref<512xf32, #tpu.memory_space<vmem>>) offsets(%arg8 : memref<512xi32, #tpu.memory_space<vmem>>) semaphore(%arg11 : memref<!tpu.dma_semaphore, #tpu.memory_space<semaphore_mem>>)
    %dma_start3A_56 = arith.constant 4096 : i32
    %dma_start3A_57 = tpu.memref_slice %arg9[%dma_start3A_56] : memref<8192xf32, #tpu.memory_space<vmem>> -> memref<512xf32, #tpu.memory_space<vmem>>
    %dma_start3A_58 = arith.constant 800768 : i32
    %dma_start3A_59 = tpu.memref_slice %arg2[%dma_start3A_58] : memref<1601536xf32, #tpu.memory_space<hbm>> -> memref<800768xf32, #tpu.memory_space<hbm>>
    %dma_start3A_60 = arith.constant 0 : i32
    %dma_start3A_61 = tpu.memref_slice %dma_start3A_59[%dma_start3A_60] : memref<800768xf32, #tpu.memory_space<hbm>> -> memref<800768xf32, #tpu.memory_space<hbm>>
    tpu.enqueue_indirect_dma source(%dma_start3A_61 : memref<800768xf32, #tpu.memory_space<hbm>>) target(%dma_start3A_57 : memref<512xf32, #tpu.memory_space<vmem>>) offsets(%arg8 : memref<512xi32, #tpu.memory_space<vmem>>) semaphore(%arg11 : memref<!tpu.dma_semaphore, #tpu.memory_space<semaphore_mem>>)
    %dma_start3A_62 = arith.constant 4608 : i32
    %dma_start3A_63 = tpu.memref_slice %arg9[%dma_start3A_62] : memref<8192xf32, #tpu.memory_space<vmem>> -> memref<512xf32, #tpu.memory_space<vmem>>
    %dma_start3A_64 = arith.constant 800896 : i32
    %dma_start3A_65 = tpu.memref_slice %arg2[%dma_start3A_64] : memref<1601536xf32, #tpu.memory_space<hbm>> -> memref<800640xf32, #tpu.memory_space<hbm>>
    %dma_start3A_66 = arith.constant 0 : i32
    %dma_start3A_67 = tpu.memref_slice %dma_start3A_65[%dma_start3A_66] : memref<800640xf32, #tpu.memory_space<hbm>> -> memref<800640xf32, #tpu.memory_space<hbm>>
    tpu.enqueue_indirect_dma source(%dma_start3A_67 : memref<800640xf32, #tpu.memory_space<hbm>>) target(%dma_start3A_63 : memref<512xf32, #tpu.memory_space<vmem>>) offsets(%arg8 : memref<512xi32, #tpu.memory_space<vmem>>) semaphore(%arg11 : memref<!tpu.dma_semaphore, #tpu.memory_space<semaphore_mem>>)
    %dma_start3A_68 = arith.constant 5120 : i32
    %dma_start3A_69 = tpu.memref_slice %arg9[%dma_start3A_68] : memref<8192xf32, #tpu.memory_space<vmem>> -> memref<512xf32, #tpu.memory_space<vmem>>
    %dma_start3A_70 = arith.constant 801024 : i32
    %dma_start3A_71 = tpu.memref_slice %arg2[%dma_start3A_70] : memref<1601536xf32, #tpu.memory_space<hbm>> -> memref<800512xf32, #tpu.memory_space<hbm>>
    %dma_start3A_72 = arith.constant 0 : i32
    %dma_start3A_73 = tpu.memref_slice %dma_start3A_71[%dma_start3A_72] : memref<800512xf32, #tpu.memory_space<hbm>> -> memref<800512xf32, #tpu.memory_space<hbm>>
    tpu.enqueue_indirect_dma source(%dma_start3A_73 : memref<800512xf32, #tpu.memory_space<hbm>>) target(%dma_start3A_69 : memref<512xf32, #tpu.memory_space<vmem>>) offsets(%arg8 : memref<512xi32, #tpu.memory_space<vmem>>) semaphore(%arg11 : memref<!tpu.dma_semaphore, #tpu.memory_space<semaphore_mem>>)
    %dma_start3A_74 = arith.constant 5632 : i32
    %dma_start3A_75 = tpu.memref_slice %arg9[%dma_start3A_74] : memref<8192xf32, #tpu.memory_space<vmem>> -> memref<512xf32, #tpu.memory_space<vmem>>
    %dma_start3A_76 = arith.constant 801152 : i32
    %dma_start3A_77 = tpu.memref_slice %arg2[%dma_start3A_76] : memref<1601536xf32, #tpu.memory_space<hbm>> -> memref<800384xf32, #tpu.memory_space<hbm>>
    %dma_start3A_78 = arith.constant 0 : i32
    %dma_start3A_79 = tpu.memref_slice %dma_start3A_77[%dma_start3A_78] : memref<800384xf32, #tpu.memory_space<hbm>> -> memref<800384xf32, #tpu.memory_space<hbm>>
    tpu.enqueue_indirect_dma source(%dma_start3A_79 : memref<800384xf32, #tpu.memory_space<hbm>>) target(%dma_start3A_75 : memref<512xf32, #tpu.memory_space<vmem>>) offsets(%arg8 : memref<512xi32, #tpu.memory_space<vmem>>) semaphore(%arg11 : memref<!tpu.dma_semaphore, #tpu.memory_space<semaphore_mem>>)
    %dma_start3A_80 = arith.constant 6144 : i32
    %dma_start3A_81 = tpu.memref_slice %arg9[%dma_start3A_80] : memref<8192xf32, #tpu.memory_space<vmem>> -> memref<512xf32, #tpu.memory_space<vmem>>
    %dma_start3A_82 = arith.constant 801280 : i32
    %dma_start3A_83 = tpu.memref_slice %arg2[%dma_start3A_82] : memref<1601536xf32, #tpu.memory_space<hbm>> -> memref<800256xf32, #tpu.memory_space<hbm>>
    %dma_start3A_84 = arith.constant 0 : i32
    %dma_start3A_85 = tpu.memref_slice %dma_start3A_83[%dma_start3A_84] : memref<800256xf32, #tpu.memory_space<hbm>> -> memref<800256xf32, #tpu.memory_space<hbm>>
    tpu.enqueue_indirect_dma source(%dma_start3A_85 : memref<800256xf32, #tpu.memory_space<hbm>>) target(%dma_start3A_81 : memref<512xf32, #tpu.memory_space<vmem>>) offsets(%arg8 : memref<512xi32, #tpu.memory_space<vmem>>) semaphore(%arg11 : memref<!tpu.dma_semaphore, #tpu.memory_space<semaphore_mem>>)
    %dma_start3A_86 = arith.constant 6656 : i32
    %dma_start3A_87 = tpu.memref_slice %arg9[%dma_start3A_86] : memref<8192xf32, #tpu.memory_space<vmem>> -> memref<512xf32, #tpu.memory_space<vmem>>
    %dma_start3A_88 = arith.constant 801408 : i32
    %dma_start3A_89 = tpu.memref_slice %arg2[%dma_start3A_88] : memref<1601536xf32, #tpu.memory_space<hbm>> -> memref<800128xf32, #tpu.memory_space<hbm>>
    %dma_start3A_90 = arith.constant 0 : i32
    %dma_start3A_91 = tpu.memref_slice %dma_start3A_89[%dma_start3A_90] : memref<800128xf32, #tpu.memory_space<hbm>> -> memref<800128xf32, #tpu.memory_space<hbm>>
    tpu.enqueue_indirect_dma source(%dma_start3A_91 : memref<800128xf32, #tpu.memory_space<hbm>>) target(%dma_start3A_87 : memref<512xf32, #tpu.memory_space<vmem>>) offsets(%arg8 : memref<512xi32, #tpu.memory_space<vmem>>) semaphore(%arg11 : memref<!tpu.dma_semaphore, #tpu.memory_space<semaphore_mem>>)
    %dma_start3A_92 = arith.constant 7168 : i32
    %dma_start3A_93 = tpu.memref_slice %arg9[%dma_start3A_92] : memref<8192xf32, #tpu.memory_space<vmem>> -> memref<512xf32, #tpu.memory_space<vmem>>
    %dma_start3A_94 = arith.constant 801536 : i32
    %dma_start3A_95 = tpu.memref_slice %arg2[%dma_start3A_94] : memref<1601536xf32, #tpu.memory_space<hbm>> -> memref<800000xf32, #tpu.memory_space<hbm>>
    %dma_start3A_96 = arith.constant 0 : i32
    %dma_start3A_97 = tpu.memref_slice %dma_start3A_95[%dma_start3A_96] : memref<800000xf32, #tpu.memory_space<hbm>> -> memref<800000xf32, #tpu.memory_space<hbm>>
    tpu.enqueue_indirect_dma source(%dma_start3A_97 : memref<800000xf32, #tpu.memory_space<hbm>>) target(%dma_start3A_93 : memref<512xf32, #tpu.memory_space<vmem>>) offsets(%arg8 : memref<512xi32, #tpu.memory_space<vmem>>) semaphore(%arg11 : memref<!tpu.dma_semaphore, #tpu.memory_space<semaphore_mem>>)
    %dma_start3A_98 = arith.constant 7680 : i32
    %dma_start3A_99 = tpu.memref_slice %arg9[%dma_start3A_98] : memref<8192xf32, #tpu.memory_space<vmem>> -> memref<512xf32, #tpu.memory_space<vmem>>
    %dma_start3A_100 = arith.constant 801664 : i32
    %dma_start3A_101 = tpu.memref_slice %arg2[%dma_start3A_100] : memref<1601536xf32, #tpu.memory_space<hbm>> -> memref<799872xf32, #tpu.memory_space<hbm>>
    %dma_start3A_102 = arith.constant 0 : i32
    %dma_start3A_103 = tpu.memref_slice %dma_start3A_101[%dma_start3A_102] : memref<799872xf32, #tpu.memory_space<hbm>> -> memref<799872xf32, #tpu.memory_space<hbm>>
    tpu.enqueue_indirect_dma source(%dma_start3A_103 : memref<799872xf32, #tpu.memory_space<hbm>>) target(%dma_start3A_99 : memref<512xf32, #tpu.memory_space<vmem>>) offsets(%arg8 : memref<512xi32, #tpu.memory_space<vmem>>) semaphore(%arg11 : memref<!tpu.dma_semaphore, #tpu.memory_space<semaphore_mem>>)
    %dma_start3A_104 = arith.constant 0 : i32
    %dma_start3A_105 = tpu.memref_slice %arg10[%dma_start3A_104] : memref<512xf32, #tpu.memory_space<vmem>> -> memref<128xf32, #tpu.memory_space<vmem>>
    %dma_start3A_106 = arith.constant 0 : i32
    %dma_start3A_107 = tpu.memref_slice %arg7[%dma_start3A_106] : memref<512xi32, #tpu.memory_space<vmem>> -> memref<128xi32, #tpu.memory_space<vmem>>
    %dma_start3A_108 = arith.constant 0 : i32
    %dma_start3A_109 = tpu.memref_slice %arg3[%dma_start3A_108] : memref<100000xf32, #tpu.memory_space<hbm>> -> memref<100000xf32, #tpu.memory_space<hbm>>
    tpu.enqueue_indirect_dma source(%dma_start3A_109 : memref<100000xf32, #tpu.memory_space<hbm>>) target(%dma_start3A_105 : memref<128xf32, #tpu.memory_space<vmem>>) offsets(%dma_start3A_107 : memref<128xi32, #tpu.memory_space<vmem>>) semaphore(%arg11 : memref<!tpu.dma_semaphore, #tpu.memory_space<semaphore_mem>>)
    %dma_start3A_110 = arith.constant 128 : i32
    %dma_start3A_111 = tpu.memref_slice %arg10[%dma_start3A_110] : memref<512xf32, #tpu.memory_space<vmem>> -> memref<128xf32, #tpu.memory_space<vmem>>
    %dma_start3A_112 = arith.constant 128 : i32
    %dma_start3A_113 = tpu.memref_slice %arg7[%dma_start3A_112] : memref<512xi32, #tpu.memory_space<vmem>> -> memref<128xi32, #tpu.memory_space<vmem>>
    %dma_start3A_114 = arith.constant 0 : i32
    %dma_start3A_115 = tpu.memref_slice %arg3[%dma_start3A_114] : memref<100000xf32, #tpu.memory_space<hbm>> -> memref<100000xf32, #tpu.memory_space<hbm>>
    tpu.enqueue_indirect_dma source(%dma_start3A_115 : memref<100000xf32, #tpu.memory_space<hbm>>) target(%dma_start3A_111 : memref<128xf32, #tpu.memory_space<vmem>>) offsets(%dma_start3A_113 : memref<128xi32, #tpu.memory_space<vmem>>) semaphore(%arg11 : memref<!tpu.dma_semaphore, #tpu.memory_space<semaphore_mem>>)
    %dma_start3A_116 = arith.constant 256 : i32
    %dma_start3A_117 = tpu.memref_slice %arg10[%dma_start3A_116] : memref<512xf32, #tpu.memory_space<vmem>> -> memref<128xf32, #tpu.memory_space<vmem>>
    %dma_start3A_118 = arith.constant 256 : i32
    %dma_start3A_119 = tpu.memref_slice %arg7[%dma_start3A_118] : memref<512xi32, #tpu.memory_space<vmem>> -> memref<128xi32, #tpu.memory_space<vmem>>
    %dma_start3A_120 = arith.constant 0 : i32
    %dma_start3A_121 = tpu.memref_slice %arg3[%dma_start3A_120] : memref<100000xf32, #tpu.memory_space<hbm>> -> memref<100000xf32, #tpu.memory_space<hbm>>
    tpu.enqueue_indirect_dma source(%dma_start3A_121 : memref<100000xf32, #tpu.memory_space<hbm>>) target(%dma_start3A_117 : memref<128xf32, #tpu.memory_space<vmem>>) offsets(%dma_start3A_119 : memref<128xi32, #tpu.memory_space<vmem>>) semaphore(%arg11 : memref<!tpu.dma_semaphore, #tpu.memory_space<semaphore_mem>>)
    %dma_start3A_122 = arith.constant 384 : i32
    %dma_start3A_123 = tpu.memref_slice %arg10[%dma_start3A_122] : memref<512xf32, #tpu.memory_space<vmem>> -> memref<128xf32, #tpu.memory_space<vmem>>
    %dma_start3A_124 = arith.constant 384 : i32
    %dma_start3A_125 = tpu.memref_slice %arg7[%dma_start3A_124] : memref<512xi32, #tpu.memory_space<vmem>> -> memref<128xi32, #tpu.memory_space<vmem>>
    %dma_start3A_126 = arith.constant 0 : i32
    %dma_start3A_127 = tpu.memref_slice %arg3[%dma_start3A_126] : memref<100000xf32, #tpu.memory_space<hbm>> -> memref<100000xf32, #tpu.memory_space<hbm>>
    tpu.enqueue_indirect_dma source(%dma_start3A_127 : memref<100000xf32, #tpu.memory_space<hbm>>) target(%dma_start3A_123 : memref<128xf32, #tpu.memory_space<vmem>>) offsets(%dma_start3A_125 : memref<128xi32, #tpu.memory_space<vmem>>) semaphore(%arg11 : memref<!tpu.dma_semaphore, #tpu.memory_space<semaphore_mem>>)
    %dma_wait3A = arith.constant 0 : i32
    %dma_wait3A_128 = tpu.memref_slice %arg9[%dma_wait3A] : memref<8192xf32, #tpu.memory_space<vmem>> -> memref<512xf32, #tpu.memory_space<vmem>>
    %dma_wait3A_129 = arith.constant 0 : i32
    %dma_wait3A_130 = tpu.memref_slice %arg2[%dma_wait3A_129] : memref<1601536xf32, #tpu.memory_space<hbm>> -> memref<800768xf32, #tpu.memory_space<hbm>>
    %dma_wait3A_131 = arith.constant 0 : i32
    %dma_wait3A_132 = tpu.memref_slice %dma_wait3A_130[%dma_wait3A_131] : memref<800768xf32, #tpu.memory_space<hbm>> -> memref<800768xf32, #tpu.memory_space<hbm>>
    tpu.wait_indirect_dma semaphore(%arg11 : memref<!tpu.dma_semaphore, #tpu.memory_space<semaphore_mem>>) src(%dma_wait3A_132 : memref<800768xf32, #tpu.memory_space<hbm>>) dst(%dma_wait3A_128 : memref<512xf32, #tpu.memory_space<vmem>>)
    %dma_wait3A_133 = arith.constant 512 : i32
    %dma_wait3A_134 = tpu.memref_slice %arg9[%dma_wait3A_133] : memref<8192xf32, #tpu.memory_space<vmem>> -> memref<512xf32, #tpu.memory_space<vmem>>
    %dma_wait3A_135 = arith.constant 128 : i32
    %dma_wait3A_136 = tpu.memref_slice %arg2[%dma_wait3A_135] : memref<1601536xf32, #tpu.memory_space<hbm>> -> memref<800640xf32, #tpu.memory_space<hbm>>
    %dma_wait3A_137 = arith.constant 0 : i32
    %dma_wait3A_138 = tpu.memref_slice %dma_wait3A_136[%dma_wait3A_137] : memref<800640xf32, #tpu.memory_space<hbm>> -> memref<800640xf32, #tpu.memory_space<hbm>>
    tpu.wait_indirect_dma semaphore(%arg11 : memref<!tpu.dma_semaphore, #tpu.memory_space<semaphore_mem>>) src(%dma_wait3A_138 : memref<800640xf32, #tpu.memory_space<hbm>>) dst(%dma_wait3A_134 : memref<512xf32, #tpu.memory_space<vmem>>)
    %dma_wait3A_139 = arith.constant 1024 : i32
    %dma_wait3A_140 = tpu.memref_slice %arg9[%dma_wait3A_139] : memref<8192xf32, #tpu.memory_space<vmem>> -> memref<512xf32, #tpu.memory_space<vmem>>
    %dma_wait3A_141 = arith.constant 256 : i32
    %dma_wait3A_142 = tpu.memref_slice %arg2[%dma_wait3A_141] : memref<1601536xf32, #tpu.memory_space<hbm>> -> memref<800512xf32, #tpu.memory_space<hbm>>
    %dma_wait3A_143 = arith.constant 0 : i32
    %dma_wait3A_144 = tpu.memref_slice %dma_wait3A_142[%dma_wait3A_143] : memref<800512xf32, #tpu.memory_space<hbm>> -> memref<800512xf32, #tpu.memory_space<hbm>>
    tpu.wait_indirect_dma semaphore(%arg11 : memref<!tpu.dma_semaphore, #tpu.memory_space<semaphore_mem>>) src(%dma_wait3A_144 : memref<800512xf32, #tpu.memory_space<hbm>>) dst(%dma_wait3A_140 : memref<512xf32, #tpu.memory_space<vmem>>)
    %dma_wait3A_145 = arith.constant 1536 : i32
    %dma_wait3A_146 = tpu.memref_slice %arg9[%dma_wait3A_145] : memref<8192xf32, #tpu.memory_space<vmem>> -> memref<512xf32, #tpu.memory_space<vmem>>
    %dma_wait3A_147 = arith.constant 384 : i32
    %dma_wait3A_148 = tpu.memref_slice %arg2[%dma_wait3A_147] : memref<1601536xf32, #tpu.memory_space<hbm>> -> memref<800384xf32, #tpu.memory_space<hbm>>
    %dma_wait3A_149 = arith.constant 0 : i32
    %dma_wait3A_150 = tpu.memref_slice %dma_wait3A_148[%dma_wait3A_149] : memref<800384xf32, #tpu.memory_space<hbm>> -> memref<800384xf32, #tpu.memory_space<hbm>>
    tpu.wait_indirect_dma semaphore(%arg11 : memref<!tpu.dma_semaphore, #tpu.memory_space<semaphore_mem>>) src(%dma_wait3A_150 : memref<800384xf32, #tpu.memory_space<hbm>>) dst(%dma_wait3A_146 : memref<512xf32, #tpu.memory_space<vmem>>)
    %dma_wait3A_151 = arith.constant 2048 : i32
    %dma_wait3A_152 = tpu.memref_slice %arg9[%dma_wait3A_151] : memref<8192xf32, #tpu.memory_space<vmem>> -> memref<512xf32, #tpu.memory_space<vmem>>
    %dma_wait3A_153 = arith.constant 512 : i32
    %dma_wait3A_154 = tpu.memref_slice %arg2[%dma_wait3A_153] : memref<1601536xf32, #tpu.memory_space<hbm>> -> memref<800256xf32, #tpu.memory_space<hbm>>
    %dma_wait3A_155 = arith.constant 0 : i32
    %dma_wait3A_156 = tpu.memref_slice %dma_wait3A_154[%dma_wait3A_155] : memref<800256xf32, #tpu.memory_space<hbm>> -> memref<800256xf32, #tpu.memory_space<hbm>>
    tpu.wait_indirect_dma semaphore(%arg11 : memref<!tpu.dma_semaphore, #tpu.memory_space<semaphore_mem>>) src(%dma_wait3A_156 : memref<800256xf32, #tpu.memory_space<hbm>>) dst(%dma_wait3A_152 : memref<512xf32, #tpu.memory_space<vmem>>)
    %dma_wait3A_157 = arith.constant 2560 : i32
    %dma_wait3A_158 = tpu.memref_slice %arg9[%dma_wait3A_157] : memref<8192xf32, #tpu.memory_space<vmem>> -> memref<512xf32, #tpu.memory_space<vmem>>
    %dma_wait3A_159 = arith.constant 640 : i32
    %dma_wait3A_160 = tpu.memref_slice %arg2[%dma_wait3A_159] : memref<1601536xf32, #tpu.memory_space<hbm>> -> memref<800128xf32, #tpu.memory_space<hbm>>
    %dma_wait3A_161 = arith.constant 0 : i32
    %dma_wait3A_162 = tpu.memref_slice %dma_wait3A_160[%dma_wait3A_161] : memref<800128xf32, #tpu.memory_space<hbm>> -> memref<800128xf32, #tpu.memory_space<hbm>>
    tpu.wait_indirect_dma semaphore(%arg11 : memref<!tpu.dma_semaphore, #tpu.memory_space<semaphore_mem>>) src(%dma_wait3A_162 : memref<800128xf32, #tpu.memory_space<hbm>>) dst(%dma_wait3A_158 : memref<512xf32, #tpu.memory_space<vmem>>)
    %dma_wait3A_163 = arith.constant 3072 : i32
    %dma_wait3A_164 = tpu.memref_slice %arg9[%dma_wait3A_163] : memref<8192xf32, #tpu.memory_space<vmem>> -> memref<512xf32, #tpu.memory_space<vmem>>
    %dma_wait3A_165 = arith.constant 768 : i32
    %dma_wait3A_166 = tpu.memref_slice %arg2[%dma_wait3A_165] : memref<1601536xf32, #tpu.memory_space<hbm>> -> memref<800000xf32, #tpu.memory_space<hbm>>
    %dma_wait3A_167 = arith.constant 0 : i32
    %dma_wait3A_168 = tpu.memref_slice %dma_wait3A_166[%dma_wait3A_167] : memref<800000xf32, #tpu.memory_space<hbm>> -> memref<800000xf32, #tpu.memory_space<hbm>>
    tpu.wait_indirect_dma semaphore(%arg11 : memref<!tpu.dma_semaphore, #tpu.memory_space<semaphore_mem>>) src(%dma_wait3A_168 : memref<800000xf32, #tpu.memory_space<hbm>>) dst(%dma_wait3A_164 : memref<512xf32, #tpu.memory_space<vmem>>)
    %dma_wait3A_169 = arith.constant 3584 : i32
    %dma_wait3A_170 = tpu.memref_slice %arg9[%dma_wait3A_169] : memref<8192xf32, #tpu.memory_space<vmem>> -> memref<512xf32, #tpu.memory_space<vmem>>
    %dma_wait3A_171 = arith.constant 896 : i32
    %dma_wait3A_172 = tpu.memref_slice %arg2[%dma_wait3A_171] : memref<1601536xf32, #tpu.memory_space<hbm>> -> memref<799872xf32, #tpu.memory_space<hbm>>
    %dma_wait3A_173 = arith.constant 0 : i32
    %dma_wait3A_174 = tpu.memref_slice %dma_wait3A_172[%dma_wait3A_173] : memref<799872xf32, #tpu.memory_space<hbm>> -> memref<799872xf32, #tpu.memory_space<hbm>>
    tpu.wait_indirect_dma semaphore(%arg11 : memref<!tpu.dma_semaphore, #tpu.memory_space<semaphore_mem>>) src(%dma_wait3A_174 : memref<799872xf32, #tpu.memory_space<hbm>>) dst(%dma_wait3A_170 : memref<512xf32, #tpu.memory_space<vmem>>)
    %dma_wait3A_175 = arith.constant 4096 : i32
    %dma_wait3A_176 = tpu.memref_slice %arg9[%dma_wait3A_175] : memref<8192xf32, #tpu.memory_space<vmem>> -> memref<512xf32, #tpu.memory_space<vmem>>
    %dma_wait3A_177 = arith.constant 800768 : i32
    %dma_wait3A_178 = tpu.memref_slice %arg2[%dma_wait3A_177] : memref<1601536xf32, #tpu.memory_space<hbm>> -> memref<800768xf32, #tpu.memory_space<hbm>>
    %dma_wait3A_179 = arith.constant 0 : i32
    %dma_wait3A_180 = tpu.memref_slice %dma_wait3A_178[%dma_wait3A_179] : memref<800768xf32, #tpu.memory_space<hbm>> -> memref<800768xf32, #tpu.memory_space<hbm>>
    tpu.wait_indirect_dma semaphore(%arg11 : memref<!tpu.dma_semaphore, #tpu.memory_space<semaphore_mem>>) src(%dma_wait3A_180 : memref<800768xf32, #tpu.memory_space<hbm>>) dst(%dma_wait3A_176 : memref<512xf32, #tpu.memory_space<vmem>>)
    %dma_wait3A_181 = arith.constant 4608 : i32
    %dma_wait3A_182 = tpu.memref_slice %arg9[%dma_wait3A_181] : memref<8192xf32, #tpu.memory_space<vmem>> -> memref<512xf32, #tpu.memory_space<vmem>>
    %dma_wait3A_183 = arith.constant 800896 : i32
    %dma_wait3A_184 = tpu.memref_slice %arg2[%dma_wait3A_183] : memref<1601536xf32, #tpu.memory_space<hbm>> -> memref<800640xf32, #tpu.memory_space<hbm>>
    %dma_wait3A_185 = arith.constant 0 : i32
    %dma_wait3A_186 = tpu.memref_slice %dma_wait3A_184[%dma_wait3A_185] : memref<800640xf32, #tpu.memory_space<hbm>> -> memref<800640xf32, #tpu.memory_space<hbm>>
    tpu.wait_indirect_dma semaphore(%arg11 : memref<!tpu.dma_semaphore, #tpu.memory_space<semaphore_mem>>) src(%dma_wait3A_186 : memref<800640xf32, #tpu.memory_space<hbm>>) dst(%dma_wait3A_182 : memref<512xf32, #tpu.memory_space<vmem>>)
    %dma_wait3A_187 = arith.constant 5120 : i32
    %dma_wait3A_188 = tpu.memref_slice %arg9[%dma_wait3A_187] : memref<8192xf32, #tpu.memory_space<vmem>> -> memref<512xf32, #tpu.memory_space<vmem>>
    %dma_wait3A_189 = arith.constant 801024 : i32
    %dma_wait3A_190 = tpu.memref_slice %arg2[%dma_wait3A_189] : memref<1601536xf32, #tpu.memory_space<hbm>> -> memref<800512xf32, #tpu.memory_space<hbm>>
    %dma_wait3A_191 = arith.constant 0 : i32
    %dma_wait3A_192 = tpu.memref_slice %dma_wait3A_190[%dma_wait3A_191] : memref<800512xf32, #tpu.memory_space<hbm>> -> memref<800512xf32, #tpu.memory_space<hbm>>
    tpu.wait_indirect_dma semaphore(%arg11 : memref<!tpu.dma_semaphore, #tpu.memory_space<semaphore_mem>>) src(%dma_wait3A_192 : memref<800512xf32, #tpu.memory_space<hbm>>) dst(%dma_wait3A_188 : memref<512xf32, #tpu.memory_space<vmem>>)
    %dma_wait3A_193 = arith.constant 5632 : i32
    %dma_wait3A_194 = tpu.memref_slice %arg9[%dma_wait3A_193] : memref<8192xf32, #tpu.memory_space<vmem>> -> memref<512xf32, #tpu.memory_space<vmem>>
    %dma_wait3A_195 = arith.constant 801152 : i32
    %dma_wait3A_196 = tpu.memref_slice %arg2[%dma_wait3A_195] : memref<1601536xf32, #tpu.memory_space<hbm>> -> memref<800384xf32, #tpu.memory_space<hbm>>
    %dma_wait3A_197 = arith.constant 0 : i32
    %dma_wait3A_198 = tpu.memref_slice %dma_wait3A_196[%dma_wait3A_197] : memref<800384xf32, #tpu.memory_space<hbm>> -> memref<800384xf32, #tpu.memory_space<hbm>>
    tpu.wait_indirect_dma semaphore(%arg11 : memref<!tpu.dma_semaphore, #tpu.memory_space<semaphore_mem>>) src(%dma_wait3A_198 : memref<800384xf32, #tpu.memory_space<hbm>>) dst(%dma_wait3A_194 : memref<512xf32, #tpu.memory_space<vmem>>)
    %dma_wait3A_199 = arith.constant 6144 : i32
    %dma_wait3A_200 = tpu.memref_slice %arg9[%dma_wait3A_199] : memref<8192xf32, #tpu.memory_space<vmem>> -> memref<512xf32, #tpu.memory_space<vmem>>
    %dma_wait3A_201 = arith.constant 801280 : i32
    %dma_wait3A_202 = tpu.memref_slice %arg2[%dma_wait3A_201] : memref<1601536xf32, #tpu.memory_space<hbm>> -> memref<800256xf32, #tpu.memory_space<hbm>>
    %dma_wait3A_203 = arith.constant 0 : i32
    %dma_wait3A_204 = tpu.memref_slice %dma_wait3A_202[%dma_wait3A_203] : memref<800256xf32, #tpu.memory_space<hbm>> -> memref<800256xf32, #tpu.memory_space<hbm>>
    tpu.wait_indirect_dma semaphore(%arg11 : memref<!tpu.dma_semaphore, #tpu.memory_space<semaphore_mem>>) src(%dma_wait3A_204 : memref<800256xf32, #tpu.memory_space<hbm>>) dst(%dma_wait3A_200 : memref<512xf32, #tpu.memory_space<vmem>>)
    %dma_wait3A_205 = arith.constant 6656 : i32
    %dma_wait3A_206 = tpu.memref_slice %arg9[%dma_wait3A_205] : memref<8192xf32, #tpu.memory_space<vmem>> -> memref<512xf32, #tpu.memory_space<vmem>>
    %dma_wait3A_207 = arith.constant 801408 : i32
    %dma_wait3A_208 = tpu.memref_slice %arg2[%dma_wait3A_207] : memref<1601536xf32, #tpu.memory_space<hbm>> -> memref<800128xf32, #tpu.memory_space<hbm>>
    %dma_wait3A_209 = arith.constant 0 : i32
    %dma_wait3A_210 = tpu.memref_slice %dma_wait3A_208[%dma_wait3A_209] : memref<800128xf32, #tpu.memory_space<hbm>> -> memref<800128xf32, #tpu.memory_space<hbm>>
    tpu.wait_indirect_dma semaphore(%arg11 : memref<!tpu.dma_semaphore, #tpu.memory_space<semaphore_mem>>) src(%dma_wait3A_210 : memref<800128xf32, #tpu.memory_space<hbm>>) dst(%dma_wait3A_206 : memref<512xf32, #tpu.memory_space<vmem>>)
    %dma_wait3A_211 = arith.constant 7168 : i32
    %dma_wait3A_212 = tpu.memref_slice %arg9[%dma_wait3A_211] : memref<8192xf32, #tpu.memory_space<vmem>> -> memref<512xf32, #tpu.memory_space<vmem>>
    %dma_wait3A_213 = arith.constant 801536 : i32
    %dma_wait3A_214 = tpu.memref_slice %arg2[%dma_wait3A_213] : memref<1601536xf32, #tpu.memory_space<hbm>> -> memref<800000xf32, #tpu.memory_space<hbm>>
    %dma_wait3A_215 = arith.constant 0 : i32
    %dma_wait3A_216 = tpu.memref_slice %dma_wait3A_214[%dma_wait3A_215] : memref<800000xf32, #tpu.memory_space<hbm>> -> memref<800000xf32, #tpu.memory_space<hbm>>
    tpu.wait_indirect_dma semaphore(%arg11 : memref<!tpu.dma_semaphore, #tpu.memory_space<semaphore_mem>>) src(%dma_wait3A_216 : memref<800000xf32, #tpu.memory_space<hbm>>) dst(%dma_wait3A_212 : memref<512xf32, #tpu.memory_space<vmem>>)
    %dma_wait3A_217 = arith.constant 7680 : i32
    %dma_wait3A_218 = tpu.memref_slice %arg9[%dma_wait3A_217] : memref<8192xf32, #tpu.memory_space<vmem>> -> memref<512xf32, #tpu.memory_space<vmem>>
    %dma_wait3A_219 = arith.constant 801664 : i32
    %dma_wait3A_220 = tpu.memref_slice %arg2[%dma_wait3A_219] : memref<1601536xf32, #tpu.memory_space<hbm>> -> memref<799872xf32, #tpu.memory_space<hbm>>
    %dma_wait3A_221 = arith.constant 0 : i32
    %dma_wait3A_222 = tpu.memref_slice %dma_wait3A_220[%dma_wait3A_221] : memref<799872xf32, #tpu.memory_space<hbm>> -> memref<799872xf32, #tpu.memory_space<hbm>>
    tpu.wait_indirect_dma semaphore(%arg11 : memref<!tpu.dma_semaphore, #tpu.memory_space<semaphore_mem>>) src(%dma_wait3A_222 : memref<799872xf32, #tpu.memory_space<hbm>>) dst(%dma_wait3A_218 : memref<512xf32, #tpu.memory_space<vmem>>)
    %dma_wait3A_223 = arith.constant 0 : i32
    %dma_wait3A_224 = tpu.memref_slice %arg10[%dma_wait3A_223] : memref<512xf32, #tpu.memory_space<vmem>> -> memref<128xf32, #tpu.memory_space<vmem>>
    %dma_wait3A_225 = arith.constant 0 : i32
    %dma_wait3A_226 = tpu.memref_slice %arg7[%dma_wait3A_225] : memref<512xi32, #tpu.memory_space<vmem>> -> memref<128xi32, #tpu.memory_space<vmem>>
    %dma_wait3A_227 = arith.constant 0 : i32
    %dma_wait3A_228 = tpu.memref_slice %arg3[%dma_wait3A_227] : memref<100000xf32, #tpu.memory_space<hbm>> -> memref<100000xf32, #tpu.memory_space<hbm>>
    tpu.wait_indirect_dma semaphore(%arg11 : memref<!tpu.dma_semaphore, #tpu.memory_space<semaphore_mem>>) src(%dma_wait3A_228 : memref<100000xf32, #tpu.memory_space<hbm>>) dst(%dma_wait3A_224 : memref<128xf32, #tpu.memory_space<vmem>>)
    %dma_wait3A_229 = arith.constant 128 : i32
    %dma_wait3A_230 = tpu.memref_slice %arg10[%dma_wait3A_229] : memref<512xf32, #tpu.memory_space<vmem>> -> memref<128xf32, #tpu.memory_space<vmem>>
    %dma_wait3A_231 = arith.constant 128 : i32
    %dma_wait3A_232 = tpu.memref_slice %arg7[%dma_wait3A_231] : memref<512xi32, #tpu.memory_space<vmem>> -> memref<128xi32, #tpu.memory_space<vmem>>
    %dma_wait3A_233 = arith.constant 0 : i32
    %dma_wait3A_234 = tpu.memref_slice %arg3[%dma_wait3A_233] : memref<100000xf32, #tpu.memory_space<hbm>> -> memref<100000xf32, #tpu.memory_space<hbm>>
    tpu.wait_indirect_dma semaphore(%arg11 : memref<!tpu.dma_semaphore, #tpu.memory_space<semaphore_mem>>) src(%dma_wait3A_234 : memref<100000xf32, #tpu.memory_space<hbm>>) dst(%dma_wait3A_230 : memref<128xf32, #tpu.memory_space<vmem>>)
    %dma_wait3A_235 = arith.constant 256 : i32
    %dma_wait3A_236 = tpu.memref_slice %arg10[%dma_wait3A_235] : memref<512xf32, #tpu.memory_space<vmem>> -> memref<128xf32, #tpu.memory_space<vmem>>
    %dma_wait3A_237 = arith.constant 256 : i32
    %dma_wait3A_238 = tpu.memref_slice %arg7[%dma_wait3A_237] : memref<512xi32, #tpu.memory_space<vmem>> -> memref<128xi32, #tpu.memory_space<vmem>>
    %dma_wait3A_239 = arith.constant 0 : i32
    %dma_wait3A_240 = tpu.memref_slice %arg3[%dma_wait3A_239] : memref<100000xf32, #tpu.memory_space<hbm>> -> memref<100000xf32, #tpu.memory_space<hbm>>
    tpu.wait_indirect_dma semaphore(%arg11 : memref<!tpu.dma_semaphore, #tpu.memory_space<semaphore_mem>>) src(%dma_wait3A_240 : memref<100000xf32, #tpu.memory_space<hbm>>) dst(%dma_wait3A_236 : memref<128xf32, #tpu.memory_space<vmem>>)
    %dma_wait3A_241 = arith.constant 384 : i32
    %dma_wait3A_242 = tpu.memref_slice %arg10[%dma_wait3A_241] : memref<512xf32, #tpu.memory_space<vmem>> -> memref<128xf32, #tpu.memory_space<vmem>>
    %dma_wait3A_243 = arith.constant 384 : i32
    %dma_wait3A_244 = tpu.memref_slice %arg7[%dma_wait3A_243] : memref<512xi32, #tpu.memory_space<vmem>> -> memref<128xi32, #tpu.memory_space<vmem>>
    %dma_wait3A_245 = arith.constant 0 : i32
    %dma_wait3A_246 = tpu.memref_slice %arg3[%dma_wait3A_245] : memref<100000xf32, #tpu.memory_space<hbm>> -> memref<100000xf32, #tpu.memory_space<hbm>>
    tpu.wait_indirect_dma semaphore(%arg11 : memref<!tpu.dma_semaphore, #tpu.memory_space<semaphore_mem>>) src(%dma_wait3A_246 : memref<100000xf32, #tpu.memory_space<hbm>>) dst(%dma_wait3A_242 : memref<128xf32, #tpu.memory_space<vmem>>)
    %mul3A_247 = arith.constant 16 : i32
    %mul3A_248 = arith.muli %mul3A_2, %mul3A_247 : i32
    "tpu.region"() ({
      %run_scoped3A = tpu.sem_alloc : memref<!tpu.dma_semaphore, #tpu.memory_space<semaphore_mem>>
      %dma_start3A_249 = tpu.memref_slice %arg5[%mul3A_248] : memref<262144xf32, #tpu.memory_space<hbm>> -> memref<8192xf32, #tpu.memory_space<hbm>>
      %dma_start3A_250 = tpu.memref_slice %arg5[%mul3A_248] : memref<262144xf32, #tpu.memory_space<hbm>> -> memref<8192xf32, #tpu.memory_space<hbm>>
      tpu.enqueue_dma source(%arg9 : memref<8192xf32, #tpu.memory_space<vmem>>) target(%dma_start3A_250 : memref<8192xf32, #tpu.memory_space<hbm>>) target_semaphore(%run_scoped3A : memref<!tpu.dma_semaphore, #tpu.memory_space<semaphore_mem>>)
      %dma_wait3A_251 = tpu.memref_slice %arg5[%mul3A_248] : memref<262144xf32, #tpu.memory_space<hbm>> -> memref<8192xf32, #tpu.memory_space<hbm>>
      %dma_wait3A_252 = tpu.memref_slice %arg5[%mul3A_248] : memref<262144xf32, #tpu.memory_space<hbm>> -> memref<8192xf32, #tpu.memory_space<hbm>>
      tpu.wait_dma2 semaphore(%run_scoped3A : memref<!tpu.dma_semaphore, #tpu.memory_space<semaphore_mem>>) src(%arg9 : memref<8192xf32, #tpu.memory_space<vmem>>) dst(%dma_wait3A_252 : memref<8192xf32, #tpu.memory_space<hbm>>)
      tpu.yield
    }) : () -> ()
    "tpu.region"() ({
      %run_scoped3A = tpu.sem_alloc : memref<!tpu.dma_semaphore, #tpu.memory_space<semaphore_mem>>
      %dma_start3A_249 = tpu.memref_slice %arg6[%mul3A_2] : memref<16384xf32, #tpu.memory_space<hbm>> -> memref<512xf32, #tpu.memory_space<hbm>>
      %dma_start3A_250 = tpu.memref_slice %arg6[%mul3A_2] : memref<16384xf32, #tpu.memory_space<hbm>> -> memref<512xf32, #tpu.memory_space<hbm>>
      tpu.enqueue_dma source(%arg10 : memref<512xf32, #tpu.memory_space<vmem>>) target(%dma_start3A_250 : memref<512xf32, #tpu.memory_space<hbm>>) target_semaphore(%run_scoped3A : memref<!tpu.dma_semaphore, #tpu.memory_space<semaphore_mem>>)
      %dma_wait3A_251 = tpu.memref_slice %arg6[%mul3A_2] : memref<16384xf32, #tpu.memory_space<hbm>> -> memref<512xf32, #tpu.memory_space<hbm>>
      %dma_wait3A_252 = tpu.memref_slice %arg6[%mul3A_2] : memref<16384xf32, #tpu.memory_space<hbm>> -> memref<512xf32, #tpu.memory_space<hbm>>
      tpu.wait_dma2 semaphore(%run_scoped3A : memref<!tpu.dma_semaphore, #tpu.memory_space<semaphore_mem>>) src(%arg10 : memref<512xf32, #tpu.memory_space<vmem>>) dst(%dma_wait3A_252 : memref<512xf32, #tpu.memory_space<hbm>>)
      tpu.yield
    }) : () -> ()
    return
  }
}

#map = affine_map<(d0, d1) -> (0)>
module attributes {stable_mosaic.version = 14 : i64} {
  func.func @k(%arg0: i32, %arg1: i32, %arg2: memref<1601536xf32, #tpu.memory_space<hbm>>, %arg3: memref<100000xf32, #tpu.memory_space<hbm>>, %arg4: memref<16384xi32, #tpu.memory_space<hbm>>, %arg5: memref<262144xf32, #tpu.memory_space<hbm>>, %arg6: memref<512xf32, #tpu.memory_space<hbm>>, %arg7: memref<16384xf32, #tpu.memory_space<hbm>>, %arg8: memref<512xi32, #tpu.memory_space<vmem>>, %arg9: memref<512xi32, #tpu.memory_space<vmem>>, %arg10: memref<8192xf32, #tpu.memory_space<vmem>>, %arg11: memref<8192xf32, #tpu.memory_space<vmem>>, %arg12: memref<512xf32, #tpu.memory_space<vmem>>, %arg13: memref<16xf32, #tpu.memory_space<vmem>>, %arg14: memref<!tpu.dma_semaphore, #tpu.memory_space<semaphore_mem>>, %arg15: memref<!tpu.dma_semaphore, #tpu.memory_space<semaphore_mem>>) attributes {dimension_semantics = [#tpu.dimension_semantics<core_parallel>, #tpu.dimension_semantics<subcore_parallel>], iteration_bounds = array<i64: 2, 16>, scalar_prefetch = 0 : i64, scratch_operands = 8 : i64, tpu.core_type = #tpu.core_type<sc_vector_subcore>, window_params = [{transform_indices = #map}, {transform_indices = #map}, {transform_indices = #map}, {transform_indices = #map}, {transform_indices = #map}, {transform_indices = #map}]} {
    %mul3A = arith.constant 2 : i32
    %mul3A_0 = arith.muli %arg1, %mul3A : i32
    %add3A = arith.addi %mul3A_0, %arg0 : i32
    %mul3A_1 = arith.constant 512 : i32
    %mul3A_2 = arith.muli %add3A, %mul3A_1 : i32
    "tpu.region"() ({
      %run_scoped3A = tpu.sem_alloc : memref<!tpu.dma_semaphore, #tpu.memory_space<semaphore_mem>>
      %dma_start3A_353 = tpu.memref_slice %arg4[%mul3A_2] : memref<16384xi32, #tpu.memory_space<hbm>> -> memref<512xi32, #tpu.memory_space<hbm>>
      %dma_start3A_354 = tpu.memref_slice %arg4[%mul3A_2] : memref<16384xi32, #tpu.memory_space<hbm>> -> memref<512xi32, #tpu.memory_space<hbm>>
      tpu.enqueue_dma source(%dma_start3A_354 : memref<512xi32, #tpu.memory_space<hbm>>) target(%arg8 : memref<512xi32, #tpu.memory_space<vmem>>) target_semaphore(%run_scoped3A : memref<!tpu.dma_semaphore, #tpu.memory_space<semaphore_mem>>)
      %dma_wait3A_355 = tpu.memref_slice %arg4[%mul3A_2] : memref<16384xi32, #tpu.memory_space<hbm>> -> memref<512xi32, #tpu.memory_space<hbm>>
      %dma_wait3A_356 = tpu.memref_slice %arg4[%mul3A_2] : memref<16384xi32, #tpu.memory_space<hbm>> -> memref<512xi32, #tpu.memory_space<hbm>>
      tpu.wait_dma2 semaphore(%run_scoped3A : memref<!tpu.dma_semaphore, #tpu.memory_space<semaphore_mem>>) src(%dma_wait3A_356 : memref<512xi32, #tpu.memory_space<hbm>>) dst(%arg8 : memref<512xi32, #tpu.memory_space<vmem>>)
      tpu.yield
    }) : () -> ()
    %mul3A_3 = arith.constant 16 : i32
    %mul3A_4 = arith.muli %mul3A_2, %mul3A_3 : i32
    %dma_start3A = tpu.memref_slice %arg5[%mul3A_4] : memref<262144xf32, #tpu.memory_space<hbm>> -> memref<8192xf32, #tpu.memory_space<hbm>>
    %dma_start3A_5 = tpu.memref_slice %arg5[%mul3A_4] : memref<262144xf32, #tpu.memory_space<hbm>> -> memref<8192xf32, #tpu.memory_space<hbm>>
    tpu.enqueue_dma source(%dma_start3A_5 : memref<8192xf32, #tpu.memory_space<hbm>>) target(%arg11 : memref<8192xf32, #tpu.memory_space<vmem>>) target_semaphore(%arg15 : memref<!tpu.dma_semaphore, #tpu.memory_space<semaphore_mem>>)
    %scan3A = arith.constant 0 : i32
    %scan3A_6 = arith.constant 0 : i32
    %scan3A_7 = arith.constant 32 : i32
    %scan3A_8 = arith.addi %scan3A_6, %scan3A_7 : i32
    %scan3A_9 = arith.constant 1 : i32
    %scan3A_10 = scf.for %scan3A_353 = %scan3A_6 to %scan3A_8 step %scan3A_9 iter_args(%scan3A_354 = %scan3A) -> (i32)  : i32 {
      %mul3A_355 = arith.constant 16 : i32
      %mul3A_356 = arith.muli %scan3A_353, %mul3A_355 : i32
      %get3A = arith.index_cast %mul3A_356 : i32 to index
      %get3A_357 = tpu.vector_load %arg8[%get3A] {strides = array<i32>} : memref<512xi32, #tpu.memory_space<vmem>>, vector<16xi32>,
      %shift_right_arithmetic3A = arith.constant 7 : i32
      %shift_right_arithmetic3A_358 = vector.broadcast %shift_right_arithmetic3A : i32 to vector<16xi32>
      %shift_right_arithmetic3A_359 = arith.shrsi %get3A_357, %shift_right_arithmetic3A_358 : vector<16xi32>
      %shift_left3A = arith.constant 10 : i32
      %shift_left3A_360 = vector.broadcast %shift_left3A : i32 to vector<16xi32>
      %shift_left3A_361 = arith.shli %shift_right_arithmetic3A_359, %shift_left3A_360 : vector<16xi32>
      %and3A = arith.constant 127 : i32
      %and3A_362 = vector.broadcast %and3A : i32 to vector<16xi32>
      %and3A_363 = arith.andi %get3A_357, %and3A_362 : vector<16xi32>
      %add3A_364 = arith.addi %shift_left3A_361, %and3A_363 : vector<16xi32>
      %swap3A_365 = arith.index_cast %mul3A_356 : i32 to index
      %swap3A_366 = tpu.vector_load %arg9[%swap3A_365] {strides = array<i32>} : memref<512xi32, #tpu.memory_space<vmem>>, vector<16xi32>,
      tpu.vector_store %arg9[%swap3A_365], %add3A_364 {strides = array<i32>} : memref<512xi32, #tpu.memory_space<vmem>>, vector<16xi32>,
      %scan3A_367 = arith.constant 0 : i32
      scf.yield %scan3A_367 : i32
    }
    %scan3A_11 = arith.constant 32 : i32
    %dma_start3A_12 = arith.constant 0 : i32
    %dma_start3A_13 = tpu.memref_slice %arg10[%dma_start3A_12] : memref<8192xf32, #tpu.memory_space<vmem>> -> memref<512xf32, #tpu.memory_space<vmem>>
    %dma_start3A_14 = arith.constant 0 : i32
    %dma_start3A_15 = tpu.memref_slice %arg2[%dma_start3A_14] : memref<1601536xf32, #tpu.memory_space<hbm>> -> memref<800768xf32, #tpu.memory_space<hbm>>
    %dma_start3A_16 = arith.constant 0 : i32
    %dma_start3A_17 = tpu.memref_slice %dma_start3A_15[%dma_start3A_16] : memref<800768xf32, #tpu.memory_space<hbm>> -> memref<800768xf32, #tpu.memory_space<hbm>>
    tpu.enqueue_indirect_dma source(%dma_start3A_17 : memref<800768xf32, #tpu.memory_space<hbm>>) target(%dma_start3A_13 : memref<512xf32, #tpu.memory_space<vmem>>) offsets(%arg9 : memref<512xi32, #tpu.memory_space<vmem>>) semaphore(%arg14 : memref<!tpu.dma_semaphore, #tpu.memory_space<semaphore_mem>>)
    %dma_start3A_18 = arith.constant 512 : i32
    %dma_start3A_19 = tpu.memref_slice %arg10[%dma_start3A_18] : memref<8192xf32, #tpu.memory_space<vmem>> -> memref<512xf32, #tpu.memory_space<vmem>>
    %dma_start3A_20 = arith.constant 128 : i32
    %dma_start3A_21 = tpu.memref_slice %arg2[%dma_start3A_20] : memref<1601536xf32, #tpu.memory_space<hbm>> -> memref<800640xf32, #tpu.memory_space<hbm>>
    %dma_start3A_22 = arith.constant 0 : i32
    %dma_start3A_23 = tpu.memref_slice %dma_start3A_21[%dma_start3A_22] : memref<800640xf32, #tpu.memory_space<hbm>> -> memref<800640xf32, #tpu.memory_space<hbm>>
    tpu.enqueue_indirect_dma source(%dma_start3A_23 : memref<800640xf32, #tpu.memory_space<hbm>>) target(%dma_start3A_19 : memref<512xf32, #tpu.memory_space<vmem>>) offsets(%arg9 : memref<512xi32, #tpu.memory_space<vmem>>) semaphore(%arg14 : memref<!tpu.dma_semaphore, #tpu.memory_space<semaphore_mem>>)
    %dma_start3A_24 = arith.constant 1024 : i32
    %dma_start3A_25 = tpu.memref_slice %arg10[%dma_start3A_24] : memref<8192xf32, #tpu.memory_space<vmem>> -> memref<512xf32, #tpu.memory_space<vmem>>
    %dma_start3A_26 = arith.constant 256 : i32
    %dma_start3A_27 = tpu.memref_slice %arg2[%dma_start3A_26] : memref<1601536xf32, #tpu.memory_space<hbm>> -> memref<800512xf32, #tpu.memory_space<hbm>>
    %dma_start3A_28 = arith.constant 0 : i32
    %dma_start3A_29 = tpu.memref_slice %dma_start3A_27[%dma_start3A_28] : memref<800512xf32, #tpu.memory_space<hbm>> -> memref<800512xf32, #tpu.memory_space<hbm>>
    tpu.enqueue_indirect_dma source(%dma_start3A_29 : memref<800512xf32, #tpu.memory_space<hbm>>) target(%dma_start3A_25 : memref<512xf32, #tpu.memory_space<vmem>>) offsets(%arg9 : memref<512xi32, #tpu.memory_space<vmem>>) semaphore(%arg14 : memref<!tpu.dma_semaphore, #tpu.memory_space<semaphore_mem>>)
    %dma_start3A_30 = arith.constant 1536 : i32
    %dma_start3A_31 = tpu.memref_slice %arg10[%dma_start3A_30] : memref<8192xf32, #tpu.memory_space<vmem>> -> memref<512xf32, #tpu.memory_space<vmem>>
    %dma_start3A_32 = arith.constant 384 : i32
    %dma_start3A_33 = tpu.memref_slice %arg2[%dma_start3A_32] : memref<1601536xf32, #tpu.memory_space<hbm>> -> memref<800384xf32, #tpu.memory_space<hbm>>
    %dma_start3A_34 = arith.constant 0 : i32
    %dma_start3A_35 = tpu.memref_slice %dma_start3A_33[%dma_start3A_34] : memref<800384xf32, #tpu.memory_space<hbm>> -> memref<800384xf32, #tpu.memory_space<hbm>>
    tpu.enqueue_indirect_dma source(%dma_start3A_35 : memref<800384xf32, #tpu.memory_space<hbm>>) target(%dma_start3A_31 : memref<512xf32, #tpu.memory_space<vmem>>) offsets(%arg9 : memref<512xi32, #tpu.memory_space<vmem>>) semaphore(%arg14 : memref<!tpu.dma_semaphore, #tpu.memory_space<semaphore_mem>>)
    %dma_start3A_36 = arith.constant 2048 : i32
    %dma_start3A_37 = tpu.memref_slice %arg10[%dma_start3A_36] : memref<8192xf32, #tpu.memory_space<vmem>> -> memref<512xf32, #tpu.memory_space<vmem>>
    %dma_start3A_38 = arith.constant 512 : i32
    %dma_start3A_39 = tpu.memref_slice %arg2[%dma_start3A_38] : memref<1601536xf32, #tpu.memory_space<hbm>> -> memref<800256xf32, #tpu.memory_space<hbm>>
    %dma_start3A_40 = arith.constant 0 : i32
    %dma_start3A_41 = tpu.memref_slice %dma_start3A_39[%dma_start3A_40] : memref<800256xf32, #tpu.memory_space<hbm>> -> memref<800256xf32, #tpu.memory_space<hbm>>
    tpu.enqueue_indirect_dma source(%dma_start3A_41 : memref<800256xf32, #tpu.memory_space<hbm>>) target(%dma_start3A_37 : memref<512xf32, #tpu.memory_space<vmem>>) offsets(%arg9 : memref<512xi32, #tpu.memory_space<vmem>>) semaphore(%arg14 : memref<!tpu.dma_semaphore, #tpu.memory_space<semaphore_mem>>)
    %dma_start3A_42 = arith.constant 2560 : i32
    %dma_start3A_43 = tpu.memref_slice %arg10[%dma_start3A_42] : memref<8192xf32, #tpu.memory_space<vmem>> -> memref<512xf32, #tpu.memory_space<vmem>>
    %dma_start3A_44 = arith.constant 640 : i32
    %dma_start3A_45 = tpu.memref_slice %arg2[%dma_start3A_44] : memref<1601536xf32, #tpu.memory_space<hbm>> -> memref<800128xf32, #tpu.memory_space<hbm>>
    %dma_start3A_46 = arith.constant 0 : i32
    %dma_start3A_47 = tpu.memref_slice %dma_start3A_45[%dma_start3A_46] : memref<800128xf32, #tpu.memory_space<hbm>> -> memref<800128xf32, #tpu.memory_space<hbm>>
    tpu.enqueue_indirect_dma source(%dma_start3A_47 : memref<800128xf32, #tpu.memory_space<hbm>>) target(%dma_start3A_43 : memref<512xf32, #tpu.memory_space<vmem>>) offsets(%arg9 : memref<512xi32, #tpu.memory_space<vmem>>) semaphore(%arg14 : memref<!tpu.dma_semaphore, #tpu.memory_space<semaphore_mem>>)
    %dma_start3A_48 = arith.constant 3072 : i32
    %dma_start3A_49 = tpu.memref_slice %arg10[%dma_start3A_48] : memref<8192xf32, #tpu.memory_space<vmem>> -> memref<512xf32, #tpu.memory_space<vmem>>
    %dma_start3A_50 = arith.constant 768 : i32
    %dma_start3A_51 = tpu.memref_slice %arg2[%dma_start3A_50] : memref<1601536xf32, #tpu.memory_space<hbm>> -> memref<800000xf32, #tpu.memory_space<hbm>>
    %dma_start3A_52 = arith.constant 0 : i32
    %dma_start3A_53 = tpu.memref_slice %dma_start3A_51[%dma_start3A_52] : memref<800000xf32, #tpu.memory_space<hbm>> -> memref<800000xf32, #tpu.memory_space<hbm>>
    tpu.enqueue_indirect_dma source(%dma_start3A_53 : memref<800000xf32, #tpu.memory_space<hbm>>) target(%dma_start3A_49 : memref<512xf32, #tpu.memory_space<vmem>>) offsets(%arg9 : memref<512xi32, #tpu.memory_space<vmem>>) semaphore(%arg14 : memref<!tpu.dma_semaphore, #tpu.memory_space<semaphore_mem>>)
    %dma_start3A_54 = arith.constant 3584 : i32
    %dma_start3A_55 = tpu.memref_slice %arg10[%dma_start3A_54] : memref<8192xf32, #tpu.memory_space<vmem>> -> memref<512xf32, #tpu.memory_space<vmem>>
    %dma_start3A_56 = arith.constant 896 : i32
    %dma_start3A_57 = tpu.memref_slice %arg2[%dma_start3A_56] : memref<1601536xf32, #tpu.memory_space<hbm>> -> memref<799872xf32, #tpu.memory_space<hbm>>
    %dma_start3A_58 = arith.constant 0 : i32
    %dma_start3A_59 = tpu.memref_slice %dma_start3A_57[%dma_start3A_58] : memref<799872xf32, #tpu.memory_space<hbm>> -> memref<799872xf32, #tpu.memory_space<hbm>>
    tpu.enqueue_indirect_dma source(%dma_start3A_59 : memref<799872xf32, #tpu.memory_space<hbm>>) target(%dma_start3A_55 : memref<512xf32, #tpu.memory_space<vmem>>) offsets(%arg9 : memref<512xi32, #tpu.memory_space<vmem>>) semaphore(%arg14 : memref<!tpu.dma_semaphore, #tpu.memory_space<semaphore_mem>>)
    %dma_start3A_60 = arith.constant 4096 : i32
    %dma_start3A_61 = tpu.memref_slice %arg10[%dma_start3A_60] : memref<8192xf32, #tpu.memory_space<vmem>> -> memref<512xf32, #tpu.memory_space<vmem>>
    %dma_start3A_62 = arith.constant 800768 : i32
    %dma_start3A_63 = tpu.memref_slice %arg2[%dma_start3A_62] : memref<1601536xf32, #tpu.memory_space<hbm>> -> memref<800768xf32, #tpu.memory_space<hbm>>
    %dma_start3A_64 = arith.constant 0 : i32
    %dma_start3A_65 = tpu.memref_slice %dma_start3A_63[%dma_start3A_64] : memref<800768xf32, #tpu.memory_space<hbm>> -> memref<800768xf32, #tpu.memory_space<hbm>>
    tpu.enqueue_indirect_dma source(%dma_start3A_65 : memref<800768xf32, #tpu.memory_space<hbm>>) target(%dma_start3A_61 : memref<512xf32, #tpu.memory_space<vmem>>) offsets(%arg9 : memref<512xi32, #tpu.memory_space<vmem>>) semaphore(%arg14 : memref<!tpu.dma_semaphore, #tpu.memory_space<semaphore_mem>>)
    %dma_start3A_66 = arith.constant 4608 : i32
    %dma_start3A_67 = tpu.memref_slice %arg10[%dma_start3A_66] : memref<8192xf32, #tpu.memory_space<vmem>> -> memref<512xf32, #tpu.memory_space<vmem>>
    %dma_start3A_68 = arith.constant 800896 : i32
    %dma_start3A_69 = tpu.memref_slice %arg2[%dma_start3A_68] : memref<1601536xf32, #tpu.memory_space<hbm>> -> memref<800640xf32, #tpu.memory_space<hbm>>
    %dma_start3A_70 = arith.constant 0 : i32
    %dma_start3A_71 = tpu.memref_slice %dma_start3A_69[%dma_start3A_70] : memref<800640xf32, #tpu.memory_space<hbm>> -> memref<800640xf32, #tpu.memory_space<hbm>>
    tpu.enqueue_indirect_dma source(%dma_start3A_71 : memref<800640xf32, #tpu.memory_space<hbm>>) target(%dma_start3A_67 : memref<512xf32, #tpu.memory_space<vmem>>) offsets(%arg9 : memref<512xi32, #tpu.memory_space<vmem>>) semaphore(%arg14 : memref<!tpu.dma_semaphore, #tpu.memory_space<semaphore_mem>>)
    %dma_start3A_72 = arith.constant 5120 : i32
    %dma_start3A_73 = tpu.memref_slice %arg10[%dma_start3A_72] : memref<8192xf32, #tpu.memory_space<vmem>> -> memref<512xf32, #tpu.memory_space<vmem>>
    %dma_start3A_74 = arith.constant 801024 : i32
    %dma_start3A_75 = tpu.memref_slice %arg2[%dma_start3A_74] : memref<1601536xf32, #tpu.memory_space<hbm>> -> memref<800512xf32, #tpu.memory_space<hbm>>
    %dma_start3A_76 = arith.constant 0 : i32
    %dma_start3A_77 = tpu.memref_slice %dma_start3A_75[%dma_start3A_76] : memref<800512xf32, #tpu.memory_space<hbm>> -> memref<800512xf32, #tpu.memory_space<hbm>>
    tpu.enqueue_indirect_dma source(%dma_start3A_77 : memref<800512xf32, #tpu.memory_space<hbm>>) target(%dma_start3A_73 : memref<512xf32, #tpu.memory_space<vmem>>) offsets(%arg9 : memref<512xi32, #tpu.memory_space<vmem>>) semaphore(%arg14 : memref<!tpu.dma_semaphore, #tpu.memory_space<semaphore_mem>>)
    %dma_start3A_78 = arith.constant 5632 : i32
    %dma_start3A_79 = tpu.memref_slice %arg10[%dma_start3A_78] : memref<8192xf32, #tpu.memory_space<vmem>> -> memref<512xf32, #tpu.memory_space<vmem>>
    %dma_start3A_80 = arith.constant 801152 : i32
    %dma_start3A_81 = tpu.memref_slice %arg2[%dma_start3A_80] : memref<1601536xf32, #tpu.memory_space<hbm>> -> memref<800384xf32, #tpu.memory_space<hbm>>
    %dma_start3A_82 = arith.constant 0 : i32
    %dma_start3A_83 = tpu.memref_slice %dma_start3A_81[%dma_start3A_82] : memref<800384xf32, #tpu.memory_space<hbm>> -> memref<800384xf32, #tpu.memory_space<hbm>>
    tpu.enqueue_indirect_dma source(%dma_start3A_83 : memref<800384xf32, #tpu.memory_space<hbm>>) target(%dma_start3A_79 : memref<512xf32, #tpu.memory_space<vmem>>) offsets(%arg9 : memref<512xi32, #tpu.memory_space<vmem>>) semaphore(%arg14 : memref<!tpu.dma_semaphore, #tpu.memory_space<semaphore_mem>>)
    %dma_start3A_84 = arith.constant 6144 : i32
    %dma_start3A_85 = tpu.memref_slice %arg10[%dma_start3A_84] : memref<8192xf32, #tpu.memory_space<vmem>> -> memref<512xf32, #tpu.memory_space<vmem>>
    %dma_start3A_86 = arith.constant 801280 : i32
    %dma_start3A_87 = tpu.memref_slice %arg2[%dma_start3A_86] : memref<1601536xf32, #tpu.memory_space<hbm>> -> memref<800256xf32, #tpu.memory_space<hbm>>
    %dma_start3A_88 = arith.constant 0 : i32
    %dma_start3A_89 = tpu.memref_slice %dma_start3A_87[%dma_start3A_88] : memref<800256xf32, #tpu.memory_space<hbm>> -> memref<800256xf32, #tpu.memory_space<hbm>>
    tpu.enqueue_indirect_dma source(%dma_start3A_89 : memref<800256xf32, #tpu.memory_space<hbm>>) target(%dma_start3A_85 : memref<512xf32, #tpu.memory_space<vmem>>) offsets(%arg9 : memref<512xi32, #tpu.memory_space<vmem>>) semaphore(%arg14 : memref<!tpu.dma_semaphore, #tpu.memory_space<semaphore_mem>>)
    %dma_start3A_90 = arith.constant 6656 : i32
    %dma_start3A_91 = tpu.memref_slice %arg10[%dma_start3A_90] : memref<8192xf32, #tpu.memory_space<vmem>> -> memref<512xf32, #tpu.memory_space<vmem>>
    %dma_start3A_92 = arith.constant 801408 : i32
    %dma_start3A_93 = tpu.memref_slice %arg2[%dma_start3A_92] : memref<1601536xf32, #tpu.memory_space<hbm>> -> memref<800128xf32, #tpu.memory_space<hbm>>
    %dma_start3A_94 = arith.constant 0 : i32
    %dma_start3A_95 = tpu.memref_slice %dma_start3A_93[%dma_start3A_94] : memref<800128xf32, #tpu.memory_space<hbm>> -> memref<800128xf32, #tpu.memory_space<hbm>>
    tpu.enqueue_indirect_dma source(%dma_start3A_95 : memref<800128xf32, #tpu.memory_space<hbm>>) target(%dma_start3A_91 : memref<512xf32, #tpu.memory_space<vmem>>) offsets(%arg9 : memref<512xi32, #tpu.memory_space<vmem>>) semaphore(%arg14 : memref<!tpu.dma_semaphore, #tpu.memory_space<semaphore_mem>>)
    %dma_start3A_96 = arith.constant 7168 : i32
    %dma_start3A_97 = tpu.memref_slice %arg10[%dma_start3A_96] : memref<8192xf32, #tpu.memory_space<vmem>> -> memref<512xf32, #tpu.memory_space<vmem>>
    %dma_start3A_98 = arith.constant 801536 : i32
    %dma_start3A_99 = tpu.memref_slice %arg2[%dma_start3A_98] : memref<1601536xf32, #tpu.memory_space<hbm>> -> memref<800000xf32, #tpu.memory_space<hbm>>
    %dma_start3A_100 = arith.constant 0 : i32
    %dma_start3A_101 = tpu.memref_slice %dma_start3A_99[%dma_start3A_100] : memref<800000xf32, #tpu.memory_space<hbm>> -> memref<800000xf32, #tpu.memory_space<hbm>>
    tpu.enqueue_indirect_dma source(%dma_start3A_101 : memref<800000xf32, #tpu.memory_space<hbm>>) target(%dma_start3A_97 : memref<512xf32, #tpu.memory_space<vmem>>) offsets(%arg9 : memref<512xi32, #tpu.memory_space<vmem>>) semaphore(%arg14 : memref<!tpu.dma_semaphore, #tpu.memory_space<semaphore_mem>>)
    %dma_start3A_102 = arith.constant 7680 : i32
    %dma_start3A_103 = tpu.memref_slice %arg10[%dma_start3A_102] : memref<8192xf32, #tpu.memory_space<vmem>> -> memref<512xf32, #tpu.memory_space<vmem>>
    %dma_start3A_104 = arith.constant 801664 : i32
    %dma_start3A_105 = tpu.memref_slice %arg2[%dma_start3A_104] : memref<1601536xf32, #tpu.memory_space<hbm>> -> memref<799872xf32, #tpu.memory_space<hbm>>
    %dma_start3A_106 = arith.constant 0 : i32
    %dma_start3A_107 = tpu.memref_slice %dma_start3A_105[%dma_start3A_106] : memref<799872xf32, #tpu.memory_space<hbm>> -> memref<799872xf32, #tpu.memory_space<hbm>>
    tpu.enqueue_indirect_dma source(%dma_start3A_107 : memref<799872xf32, #tpu.memory_space<hbm>>) target(%dma_start3A_103 : memref<512xf32, #tpu.memory_space<vmem>>) offsets(%arg9 : memref<512xi32, #tpu.memory_space<vmem>>) semaphore(%arg14 : memref<!tpu.dma_semaphore, #tpu.memory_space<semaphore_mem>>)
    %dma_start3A_108 = arith.constant 0 : i32
    %dma_start3A_109 = tpu.memref_slice %arg12[%dma_start3A_108] : memref<512xf32, #tpu.memory_space<vmem>> -> memref<128xf32, #tpu.memory_space<vmem>>
    %dma_start3A_110 = arith.constant 0 : i32
    %dma_start3A_111 = tpu.memref_slice %arg8[%dma_start3A_110] : memref<512xi32, #tpu.memory_space<vmem>> -> memref<128xi32, #tpu.memory_space<vmem>>
    %dma_start3A_112 = arith.constant 0 : i32
    %dma_start3A_113 = tpu.memref_slice %arg3[%dma_start3A_112] : memref<100000xf32, #tpu.memory_space<hbm>> -> memref<100000xf32, #tpu.memory_space<hbm>>
    tpu.enqueue_indirect_dma source(%dma_start3A_113 : memref<100000xf32, #tpu.memory_space<hbm>>) target(%dma_start3A_109 : memref<128xf32, #tpu.memory_space<vmem>>) offsets(%dma_start3A_111 : memref<128xi32, #tpu.memory_space<vmem>>) semaphore(%arg15 : memref<!tpu.dma_semaphore, #tpu.memory_space<semaphore_mem>>)
    %dma_start3A_114 = arith.constant 128 : i32
    %dma_start3A_115 = tpu.memref_slice %arg12[%dma_start3A_114] : memref<512xf32, #tpu.memory_space<vmem>> -> memref<128xf32, #tpu.memory_space<vmem>>
    %dma_start3A_116 = arith.constant 128 : i32
    %dma_start3A_117 = tpu.memref_slice %arg8[%dma_start3A_116] : memref<512xi32, #tpu.memory_space<vmem>> -> memref<128xi32, #tpu.memory_space<vmem>>
    %dma_start3A_118 = arith.constant 0 : i32
    %dma_start3A_119 = tpu.memref_slice %arg3[%dma_start3A_118] : memref<100000xf32, #tpu.memory_space<hbm>> -> memref<100000xf32, #tpu.memory_space<hbm>>
    tpu.enqueue_indirect_dma source(%dma_start3A_119 : memref<100000xf32, #tpu.memory_space<hbm>>) target(%dma_start3A_115 : memref<128xf32, #tpu.memory_space<vmem>>) offsets(%dma_start3A_117 : memref<128xi32, #tpu.memory_space<vmem>>) semaphore(%arg15 : memref<!tpu.dma_semaphore, #tpu.memory_space<semaphore_mem>>)
    %dma_start3A_120 = arith.constant 256 : i32
    %dma_start3A_121 = tpu.memref_slice %arg12[%dma_start3A_120] : memref<512xf32, #tpu.memory_space<vmem>> -> memref<128xf32, #tpu.memory_space<vmem>>
    %dma_start3A_122 = arith.constant 256 : i32
    %dma_start3A_123 = tpu.memref_slice %arg8[%dma_start3A_122] : memref<512xi32, #tpu.memory_space<vmem>> -> memref<128xi32, #tpu.memory_space<vmem>>
    %dma_start3A_124 = arith.constant 0 : i32
    %dma_start3A_125 = tpu.memref_slice %arg3[%dma_start3A_124] : memref<100000xf32, #tpu.memory_space<hbm>> -> memref<100000xf32, #tpu.memory_space<hbm>>
    tpu.enqueue_indirect_dma source(%dma_start3A_125 : memref<100000xf32, #tpu.memory_space<hbm>>) target(%dma_start3A_121 : memref<128xf32, #tpu.memory_space<vmem>>) offsets(%dma_start3A_123 : memref<128xi32, #tpu.memory_space<vmem>>) semaphore(%arg15 : memref<!tpu.dma_semaphore, #tpu.memory_space<semaphore_mem>>)
    %dma_start3A_126 = arith.constant 384 : i32
    %dma_start3A_127 = tpu.memref_slice %arg12[%dma_start3A_126] : memref<512xf32, #tpu.memory_space<vmem>> -> memref<128xf32, #tpu.memory_space<vmem>>
    %dma_start3A_128 = arith.constant 384 : i32
    %dma_start3A_129 = tpu.memref_slice %arg8[%dma_start3A_128] : memref<512xi32, #tpu.memory_space<vmem>> -> memref<128xi32, #tpu.memory_space<vmem>>
    %dma_start3A_130 = arith.constant 0 : i32
    %dma_start3A_131 = tpu.memref_slice %arg3[%dma_start3A_130] : memref<100000xf32, #tpu.memory_space<hbm>> -> memref<100000xf32, #tpu.memory_space<hbm>>
    tpu.enqueue_indirect_dma source(%dma_start3A_131 : memref<100000xf32, #tpu.memory_space<hbm>>) target(%dma_start3A_127 : memref<128xf32, #tpu.memory_space<vmem>>) offsets(%dma_start3A_129 : memref<128xi32, #tpu.memory_space<vmem>>) semaphore(%arg15 : memref<!tpu.dma_semaphore, #tpu.memory_space<semaphore_mem>>)
    %dma_wait3A = tpu.memref_slice %arg5[%mul3A_4] : memref<262144xf32, #tpu.memory_space<hbm>> -> memref<8192xf32, #tpu.memory_space<hbm>>
    %dma_wait3A_132 = tpu.memref_slice %arg5[%mul3A_4] : memref<262144xf32, #tpu.memory_space<hbm>> -> memref<8192xf32, #tpu.memory_space<hbm>>
    tpu.wait_dma2 semaphore(%arg15 : memref<!tpu.dma_semaphore, #tpu.memory_space<semaphore_mem>>) src(%dma_wait3A_132 : memref<8192xf32, #tpu.memory_space<hbm>>) dst(%arg11 : memref<8192xf32, #tpu.memory_space<vmem>>)
    %broadcast_in_dim3A = arith.constant 0.000000e+00 : f32
    %broadcast_in_dim3A_133 = vector.broadcast %broadcast_in_dim3A : f32 to vector<16xf32>
    %dma_wait3A_134 = arith.constant 0 : i32
    %dma_wait3A_135 = tpu.memref_slice %arg10[%dma_wait3A_134] : memref<8192xf32, #tpu.memory_space<vmem>> -> memref<512xf32, #tpu.memory_space<vmem>>
    %dma_wait3A_136 = arith.constant 0 : i32
    %dma_wait3A_137 = tpu.memref_slice %arg2[%dma_wait3A_136] : memref<1601536xf32, #tpu.memory_space<hbm>> -> memref<800768xf32, #tpu.memory_space<hbm>>
    %dma_wait3A_138 = arith.constant 0 : i32
    %dma_wait3A_139 = tpu.memref_slice %dma_wait3A_137[%dma_wait3A_138] : memref<800768xf32, #tpu.memory_space<hbm>> -> memref<800768xf32, #tpu.memory_space<hbm>>
    tpu.wait_indirect_dma semaphore(%arg14 : memref<!tpu.dma_semaphore, #tpu.memory_space<semaphore_mem>>) src(%dma_wait3A_139 : memref<800768xf32, #tpu.memory_space<hbm>>) dst(%dma_wait3A_135 : memref<512xf32, #tpu.memory_space<vmem>>)
    %scan3A_140 = arith.constant 0 : i32
    %scan3A_141 = arith.constant 32 : i32
    %scan3A_142 = arith.addi %scan3A_140, %scan3A_141 : i32
    %scan3A_143 = arith.constant 1 : i32
    %scan3A_144 = scf.for %scan3A_353 = %scan3A_140 to %scan3A_142 step %scan3A_143 iter_args(%scan3A_354 = %broadcast_in_dim3A_133) -> (vector<16xf32>)  : i32 {
      %mul3A_355 = arith.constant 16 : i32
      %mul3A_356 = arith.muli %scan3A_353, %mul3A_355 : i32
      %add3A_357 = arith.constant 0 : i32
      %add3A_358 = arith.addi %add3A_357, %mul3A_356 : i32
      %get3A = arith.index_cast %add3A_358 : i32 to index
      %get3A_359 = tpu.vector_load %arg11[%get3A] {strides = array<i32>} : memref<8192xf32, #tpu.memory_space<vmem>>, vector<16xf32>,
      %get3A_360 = arith.index_cast %add3A_358 : i32 to index
      %get3A_361 = tpu.vector_load %arg10[%get3A_360] {strides = array<i32>} : memref<8192xf32, #tpu.memory_space<vmem>>, vector<16xf32>,
      %mul3A_362 = arith.mulf %get3A_359, %get3A_361 : vector<16xf32>
      %add3A_363 = arith.addf %scan3A_354, %mul3A_362 : vector<16xf32>
      scf.yield %add3A_363 : vector<16xf32>
    }
    %scan3A_145 = arith.constant 32 : i32
    %dma_wait3A_146 = arith.constant 512 : i32
    %dma_wait3A_147 = tpu.memref_slice %arg10[%dma_wait3A_146] : memref<8192xf32, #tpu.memory_space<vmem>> -> memref<512xf32, #tpu.memory_space<vmem>>
    %dma_wait3A_148 = arith.constant 128 : i32
    %dma_wait3A_149 = tpu.memref_slice %arg2[%dma_wait3A_148] : memref<1601536xf32, #tpu.memory_space<hbm>> -> memref<800640xf32, #tpu.memory_space<hbm>>
    %dma_wait3A_150 = arith.constant 0 : i32
    %dma_wait3A_151 = tpu.memref_slice %dma_wait3A_149[%dma_wait3A_150] : memref<800640xf32, #tpu.memory_space<hbm>> -> memref<800640xf32, #tpu.memory_space<hbm>>
    tpu.wait_indirect_dma semaphore(%arg14 : memref<!tpu.dma_semaphore, #tpu.memory_space<semaphore_mem>>) src(%dma_wait3A_151 : memref<800640xf32, #tpu.memory_space<hbm>>) dst(%dma_wait3A_147 : memref<512xf32, #tpu.memory_space<vmem>>)
    %scan3A_152 = arith.constant 0 : i32
    %scan3A_153 = arith.constant 32 : i32
    %scan3A_154 = arith.addi %scan3A_152, %scan3A_153 : i32
    %scan3A_155 = arith.constant 1 : i32
    %scan3A_156 = scf.for %scan3A_353 = %scan3A_152 to %scan3A_154 step %scan3A_155 iter_args(%scan3A_354 = %scan3A_144) -> (vector<16xf32>)  : i32 {
      %mul3A_355 = arith.constant 16 : i32
      %mul3A_356 = arith.muli %scan3A_353, %mul3A_355 : i32
      %add3A_357 = arith.constant 512 : i32
      %add3A_358 = arith.addi %add3A_357, %mul3A_356 : i32
      %get3A = arith.index_cast %add3A_358 : i32 to index
      %get3A_359 = tpu.vector_load %arg11[%get3A] {strides = array<i32>} : memref<8192xf32, #tpu.memory_space<vmem>>, vector<16xf32>,
      %get3A_360 = arith.index_cast %add3A_358 : i32 to index
      %get3A_361 = tpu.vector_load %arg10[%get3A_360] {strides = array<i32>} : memref<8192xf32, #tpu.memory_space<vmem>>, vector<16xf32>,
      %mul3A_362 = arith.mulf %get3A_359, %get3A_361 : vector<16xf32>
      %add3A_363 = arith.addf %scan3A_354, %mul3A_362 : vector<16xf32>
      scf.yield %add3A_363 : vector<16xf32>
    }
    %scan3A_157 = arith.constant 32 : i32
    %dma_wait3A_158 = arith.constant 1024 : i32
    %dma_wait3A_159 = tpu.memref_slice %arg10[%dma_wait3A_158] : memref<8192xf32, #tpu.memory_space<vmem>> -> memref<512xf32, #tpu.memory_space<vmem>>
    %dma_wait3A_160 = arith.constant 256 : i32
    %dma_wait3A_161 = tpu.memref_slice %arg2[%dma_wait3A_160] : memref<1601536xf32, #tpu.memory_space<hbm>> -> memref<800512xf32, #tpu.memory_space<hbm>>
    %dma_wait3A_162 = arith.constant 0 : i32
    %dma_wait3A_163 = tpu.memref_slice %dma_wait3A_161[%dma_wait3A_162] : memref<800512xf32, #tpu.memory_space<hbm>> -> memref<800512xf32, #tpu.memory_space<hbm>>
    tpu.wait_indirect_dma semaphore(%arg14 : memref<!tpu.dma_semaphore, #tpu.memory_space<semaphore_mem>>) src(%dma_wait3A_163 : memref<800512xf32, #tpu.memory_space<hbm>>) dst(%dma_wait3A_159 : memref<512xf32, #tpu.memory_space<vmem>>)
    %scan3A_164 = arith.constant 0 : i32
    %scan3A_165 = arith.constant 32 : i32
    %scan3A_166 = arith.addi %scan3A_164, %scan3A_165 : i32
    %scan3A_167 = arith.constant 1 : i32
    %scan3A_168 = scf.for %scan3A_353 = %scan3A_164 to %scan3A_166 step %scan3A_167 iter_args(%scan3A_354 = %scan3A_156) -> (vector<16xf32>)  : i32 {
      %mul3A_355 = arith.constant 16 : i32
      %mul3A_356 = arith.muli %scan3A_353, %mul3A_355 : i32
      %add3A_357 = arith.constant 1024 : i32
      %add3A_358 = arith.addi %add3A_357, %mul3A_356 : i32
      %get3A = arith.index_cast %add3A_358 : i32 to index
      %get3A_359 = tpu.vector_load %arg11[%get3A] {strides = array<i32>} : memref<8192xf32, #tpu.memory_space<vmem>>, vector<16xf32>,
      %get3A_360 = arith.index_cast %add3A_358 : i32 to index
      %get3A_361 = tpu.vector_load %arg10[%get3A_360] {strides = array<i32>} : memref<8192xf32, #tpu.memory_space<vmem>>, vector<16xf32>,
      %mul3A_362 = arith.mulf %get3A_359, %get3A_361 : vector<16xf32>
      %add3A_363 = arith.addf %scan3A_354, %mul3A_362 : vector<16xf32>
      scf.yield %add3A_363 : vector<16xf32>
    }
    %scan3A_169 = arith.constant 32 : i32
    %dma_wait3A_170 = arith.constant 1536 : i32
    %dma_wait3A_171 = tpu.memref_slice %arg10[%dma_wait3A_170] : memref<8192xf32, #tpu.memory_space<vmem>> -> memref<512xf32, #tpu.memory_space<vmem>>
    %dma_wait3A_172 = arith.constant 384 : i32
    %dma_wait3A_173 = tpu.memref_slice %arg2[%dma_wait3A_172] : memref<1601536xf32, #tpu.memory_space<hbm>> -> memref<800384xf32, #tpu.memory_space<hbm>>
    %dma_wait3A_174 = arith.constant 0 : i32
    %dma_wait3A_175 = tpu.memref_slice %dma_wait3A_173[%dma_wait3A_174] : memref<800384xf32, #tpu.memory_space<hbm>> -> memref<800384xf32, #tpu.memory_space<hbm>>
    tpu.wait_indirect_dma semaphore(%arg14 : memref<!tpu.dma_semaphore, #tpu.memory_space<semaphore_mem>>) src(%dma_wait3A_175 : memref<800384xf32, #tpu.memory_space<hbm>>) dst(%dma_wait3A_171 : memref<512xf32, #tpu.memory_space<vmem>>)
    %scan3A_176 = arith.constant 0 : i32
    %scan3A_177 = arith.constant 32 : i32
    %scan3A_178 = arith.addi %scan3A_176, %scan3A_177 : i32
    %scan3A_179 = arith.constant 1 : i32
    %scan3A_180 = scf.for %scan3A_353 = %scan3A_176 to %scan3A_178 step %scan3A_179 iter_args(%scan3A_354 = %scan3A_168) -> (vector<16xf32>)  : i32 {
      %mul3A_355 = arith.constant 16 : i32
      %mul3A_356 = arith.muli %scan3A_353, %mul3A_355 : i32
      %add3A_357 = arith.constant 1536 : i32
      %add3A_358 = arith.addi %add3A_357, %mul3A_356 : i32
      %get3A = arith.index_cast %add3A_358 : i32 to index
      %get3A_359 = tpu.vector_load %arg11[%get3A] {strides = array<i32>} : memref<8192xf32, #tpu.memory_space<vmem>>, vector<16xf32>,
      %get3A_360 = arith.index_cast %add3A_358 : i32 to index
      %get3A_361 = tpu.vector_load %arg10[%get3A_360] {strides = array<i32>} : memref<8192xf32, #tpu.memory_space<vmem>>, vector<16xf32>,
      %mul3A_362 = arith.mulf %get3A_359, %get3A_361 : vector<16xf32>
      %add3A_363 = arith.addf %scan3A_354, %mul3A_362 : vector<16xf32>
      scf.yield %add3A_363 : vector<16xf32>
    }
    %scan3A_181 = arith.constant 32 : i32
    %dma_wait3A_182 = arith.constant 2048 : i32
    %dma_wait3A_183 = tpu.memref_slice %arg10[%dma_wait3A_182] : memref<8192xf32, #tpu.memory_space<vmem>> -> memref<512xf32, #tpu.memory_space<vmem>>
    %dma_wait3A_184 = arith.constant 512 : i32
    %dma_wait3A_185 = tpu.memref_slice %arg2[%dma_wait3A_184] : memref<1601536xf32, #tpu.memory_space<hbm>> -> memref<800256xf32, #tpu.memory_space<hbm>>
    %dma_wait3A_186 = arith.constant 0 : i32
    %dma_wait3A_187 = tpu.memref_slice %dma_wait3A_185[%dma_wait3A_186] : memref<800256xf32, #tpu.memory_space<hbm>> -> memref<800256xf32, #tpu.memory_space<hbm>>
    tpu.wait_indirect_dma semaphore(%arg14 : memref<!tpu.dma_semaphore, #tpu.memory_space<semaphore_mem>>) src(%dma_wait3A_187 : memref<800256xf32, #tpu.memory_space<hbm>>) dst(%dma_wait3A_183 : memref<512xf32, #tpu.memory_space<vmem>>)
    %scan3A_188 = arith.constant 0 : i32
    %scan3A_189 = arith.constant 32 : i32
    %scan3A_190 = arith.addi %scan3A_188, %scan3A_189 : i32
    %scan3A_191 = arith.constant 1 : i32
    %scan3A_192 = scf.for %scan3A_353 = %scan3A_188 to %scan3A_190 step %scan3A_191 iter_args(%scan3A_354 = %scan3A_180) -> (vector<16xf32>)  : i32 {
      %mul3A_355 = arith.constant 16 : i32
      %mul3A_356 = arith.muli %scan3A_353, %mul3A_355 : i32
      %add3A_357 = arith.constant 2048 : i32
      %add3A_358 = arith.addi %add3A_357, %mul3A_356 : i32
      %get3A = arith.index_cast %add3A_358 : i32 to index
      %get3A_359 = tpu.vector_load %arg11[%get3A] {strides = array<i32>} : memref<8192xf32, #tpu.memory_space<vmem>>, vector<16xf32>,
      %get3A_360 = arith.index_cast %add3A_358 : i32 to index
      %get3A_361 = tpu.vector_load %arg10[%get3A_360] {strides = array<i32>} : memref<8192xf32, #tpu.memory_space<vmem>>, vector<16xf32>,
      %mul3A_362 = arith.mulf %get3A_359, %get3A_361 : vector<16xf32>
      %add3A_363 = arith.addf %scan3A_354, %mul3A_362 : vector<16xf32>
      scf.yield %add3A_363 : vector<16xf32>
    }
    %scan3A_193 = arith.constant 32 : i32
    %dma_wait3A_194 = arith.constant 2560 : i32
    %dma_wait3A_195 = tpu.memref_slice %arg10[%dma_wait3A_194] : memref<8192xf32, #tpu.memory_space<vmem>> -> memref<512xf32, #tpu.memory_space<vmem>>
    %dma_wait3A_196 = arith.constant 640 : i32
    %dma_wait3A_197 = tpu.memref_slice %arg2[%dma_wait3A_196] : memref<1601536xf32, #tpu.memory_space<hbm>> -> memref<800128xf32, #tpu.memory_space<hbm>>
    %dma_wait3A_198 = arith.constant 0 : i32
    %dma_wait3A_199 = tpu.memref_slice %dma_wait3A_197[%dma_wait3A_198] : memref<800128xf32, #tpu.memory_space<hbm>> -> memref<800128xf32, #tpu.memory_space<hbm>>
    tpu.wait_indirect_dma semaphore(%arg14 : memref<!tpu.dma_semaphore, #tpu.memory_space<semaphore_mem>>) src(%dma_wait3A_199 : memref<800128xf32, #tpu.memory_space<hbm>>) dst(%dma_wait3A_195 : memref<512xf32, #tpu.memory_space<vmem>>)
    %scan3A_200 = arith.constant 0 : i32
    %scan3A_201 = arith.constant 32 : i32
    %scan3A_202 = arith.addi %scan3A_200, %scan3A_201 : i32
    %scan3A_203 = arith.constant 1 : i32
    %scan3A_204 = scf.for %scan3A_353 = %scan3A_200 to %scan3A_202 step %scan3A_203 iter_args(%scan3A_354 = %scan3A_192) -> (vector<16xf32>)  : i32 {
      %mul3A_355 = arith.constant 16 : i32
      %mul3A_356 = arith.muli %scan3A_353, %mul3A_355 : i32
      %add3A_357 = arith.constant 2560 : i32
      %add3A_358 = arith.addi %add3A_357, %mul3A_356 : i32
      %get3A = arith.index_cast %add3A_358 : i32 to index
      %get3A_359 = tpu.vector_load %arg11[%get3A] {strides = array<i32>} : memref<8192xf32, #tpu.memory_space<vmem>>, vector<16xf32>,
      %get3A_360 = arith.index_cast %add3A_358 : i32 to index
      %get3A_361 = tpu.vector_load %arg10[%get3A_360] {strides = array<i32>} : memref<8192xf32, #tpu.memory_space<vmem>>, vector<16xf32>,
      %mul3A_362 = arith.mulf %get3A_359, %get3A_361 : vector<16xf32>
      %add3A_363 = arith.addf %scan3A_354, %mul3A_362 : vector<16xf32>
      scf.yield %add3A_363 : vector<16xf32>
    }
    %scan3A_205 = arith.constant 32 : i32
    %dma_wait3A_206 = arith.constant 3072 : i32
    %dma_wait3A_207 = tpu.memref_slice %arg10[%dma_wait3A_206] : memref<8192xf32, #tpu.memory_space<vmem>> -> memref<512xf32, #tpu.memory_space<vmem>>
    %dma_wait3A_208 = arith.constant 768 : i32
    %dma_wait3A_209 = tpu.memref_slice %arg2[%dma_wait3A_208] : memref<1601536xf32, #tpu.memory_space<hbm>> -> memref<800000xf32, #tpu.memory_space<hbm>>
    %dma_wait3A_210 = arith.constant 0 : i32
    %dma_wait3A_211 = tpu.memref_slice %dma_wait3A_209[%dma_wait3A_210] : memref<800000xf32, #tpu.memory_space<hbm>> -> memref<800000xf32, #tpu.memory_space<hbm>>
    tpu.wait_indirect_dma semaphore(%arg14 : memref<!tpu.dma_semaphore, #tpu.memory_space<semaphore_mem>>) src(%dma_wait3A_211 : memref<800000xf32, #tpu.memory_space<hbm>>) dst(%dma_wait3A_207 : memref<512xf32, #tpu.memory_space<vmem>>)
    %scan3A_212 = arith.constant 0 : i32
    %scan3A_213 = arith.constant 32 : i32
    %scan3A_214 = arith.addi %scan3A_212, %scan3A_213 : i32
    %scan3A_215 = arith.constant 1 : i32
    %scan3A_216 = scf.for %scan3A_353 = %scan3A_212 to %scan3A_214 step %scan3A_215 iter_args(%scan3A_354 = %scan3A_204) -> (vector<16xf32>)  : i32 {
      %mul3A_355 = arith.constant 16 : i32
      %mul3A_356 = arith.muli %scan3A_353, %mul3A_355 : i32
      %add3A_357 = arith.constant 3072 : i32
      %add3A_358 = arith.addi %add3A_357, %mul3A_356 : i32
      %get3A = arith.index_cast %add3A_358 : i32 to index
      %get3A_359 = tpu.vector_load %arg11[%get3A] {strides = array<i32>} : memref<8192xf32, #tpu.memory_space<vmem>>, vector<16xf32>,
      %get3A_360 = arith.index_cast %add3A_358 : i32 to index
      %get3A_361 = tpu.vector_load %arg10[%get3A_360] {strides = array<i32>} : memref<8192xf32, #tpu.memory_space<vmem>>, vector<16xf32>,
      %mul3A_362 = arith.mulf %get3A_359, %get3A_361 : vector<16xf32>
      %add3A_363 = arith.addf %scan3A_354, %mul3A_362 : vector<16xf32>
      scf.yield %add3A_363 : vector<16xf32>
    }
    %scan3A_217 = arith.constant 32 : i32
    %dma_wait3A_218 = arith.constant 3584 : i32
    %dma_wait3A_219 = tpu.memref_slice %arg10[%dma_wait3A_218] : memref<8192xf32, #tpu.memory_space<vmem>> -> memref<512xf32, #tpu.memory_space<vmem>>
    %dma_wait3A_220 = arith.constant 896 : i32
    %dma_wait3A_221 = tpu.memref_slice %arg2[%dma_wait3A_220] : memref<1601536xf32, #tpu.memory_space<hbm>> -> memref<799872xf32, #tpu.memory_space<hbm>>
    %dma_wait3A_222 = arith.constant 0 : i32
    %dma_wait3A_223 = tpu.memref_slice %dma_wait3A_221[%dma_wait3A_222] : memref<799872xf32, #tpu.memory_space<hbm>> -> memref<799872xf32, #tpu.memory_space<hbm>>
    tpu.wait_indirect_dma semaphore(%arg14 : memref<!tpu.dma_semaphore, #tpu.memory_space<semaphore_mem>>) src(%dma_wait3A_223 : memref<799872xf32, #tpu.memory_space<hbm>>) dst(%dma_wait3A_219 : memref<512xf32, #tpu.memory_space<vmem>>)
    %scan3A_224 = arith.constant 0 : i32
    %scan3A_225 = arith.constant 32 : i32
    %scan3A_226 = arith.addi %scan3A_224, %scan3A_225 : i32
    %scan3A_227 = arith.constant 1 : i32
    %scan3A_228 = scf.for %scan3A_353 = %scan3A_224 to %scan3A_226 step %scan3A_227 iter_args(%scan3A_354 = %scan3A_216) -> (vector<16xf32>)  : i32 {
      %mul3A_355 = arith.constant 16 : i32
      %mul3A_356 = arith.muli %scan3A_353, %mul3A_355 : i32
      %add3A_357 = arith.constant 3584 : i32
      %add3A_358 = arith.addi %add3A_357, %mul3A_356 : i32
      %get3A = arith.index_cast %add3A_358 : i32 to index
      %get3A_359 = tpu.vector_load %arg11[%get3A] {strides = array<i32>} : memref<8192xf32, #tpu.memory_space<vmem>>, vector<16xf32>,
      %get3A_360 = arith.index_cast %add3A_358 : i32 to index
      %get3A_361 = tpu.vector_load %arg10[%get3A_360] {strides = array<i32>} : memref<8192xf32, #tpu.memory_space<vmem>>, vector<16xf32>,
      %mul3A_362 = arith.mulf %get3A_359, %get3A_361 : vector<16xf32>
      %add3A_363 = arith.addf %scan3A_354, %mul3A_362 : vector<16xf32>
      scf.yield %add3A_363 : vector<16xf32>
    }
    %scan3A_229 = arith.constant 32 : i32
    %dma_wait3A_230 = arith.constant 4096 : i32
    %dma_wait3A_231 = tpu.memref_slice %arg10[%dma_wait3A_230] : memref<8192xf32, #tpu.memory_space<vmem>> -> memref<512xf32, #tpu.memory_space<vmem>>
    %dma_wait3A_232 = arith.constant 800768 : i32
    %dma_wait3A_233 = tpu.memref_slice %arg2[%dma_wait3A_232] : memref<1601536xf32, #tpu.memory_space<hbm>> -> memref<800768xf32, #tpu.memory_space<hbm>>
    %dma_wait3A_234 = arith.constant 0 : i32
    %dma_wait3A_235 = tpu.memref_slice %dma_wait3A_233[%dma_wait3A_234] : memref<800768xf32, #tpu.memory_space<hbm>> -> memref<800768xf32, #tpu.memory_space<hbm>>
    tpu.wait_indirect_dma semaphore(%arg14 : memref<!tpu.dma_semaphore, #tpu.memory_space<semaphore_mem>>) src(%dma_wait3A_235 : memref<800768xf32, #tpu.memory_space<hbm>>) dst(%dma_wait3A_231 : memref<512xf32, #tpu.memory_space<vmem>>)
    %scan3A_236 = arith.constant 0 : i32
    %scan3A_237 = arith.constant 32 : i32
    %scan3A_238 = arith.addi %scan3A_236, %scan3A_237 : i32
    %scan3A_239 = arith.constant 1 : i32
    %scan3A_240 = scf.for %scan3A_353 = %scan3A_236 to %scan3A_238 step %scan3A_239 iter_args(%scan3A_354 = %scan3A_228) -> (vector<16xf32>)  : i32 {
      %mul3A_355 = arith.constant 16 : i32
      %mul3A_356 = arith.muli %scan3A_353, %mul3A_355 : i32
      %add3A_357 = arith.constant 4096 : i32
      %add3A_358 = arith.addi %add3A_357, %mul3A_356 : i32
      %get3A = arith.index_cast %add3A_358 : i32 to index
      %get3A_359 = tpu.vector_load %arg11[%get3A] {strides = array<i32>} : memref<8192xf32, #tpu.memory_space<vmem>>, vector<16xf32>,
      %get3A_360 = arith.index_cast %add3A_358 : i32 to index
      %get3A_361 = tpu.vector_load %arg10[%get3A_360] {strides = array<i32>} : memref<8192xf32, #tpu.memory_space<vmem>>, vector<16xf32>,
      %mul3A_362 = arith.mulf %get3A_359, %get3A_361 : vector<16xf32>
      %add3A_363 = arith.addf %scan3A_354, %mul3A_362 : vector<16xf32>
      scf.yield %add3A_363 : vector<16xf32>
    }
    %scan3A_241 = arith.constant 32 : i32
    %dma_wait3A_242 = arith.constant 4608 : i32
    %dma_wait3A_243 = tpu.memref_slice %arg10[%dma_wait3A_242] : memref<8192xf32, #tpu.memory_space<vmem>> -> memref<512xf32, #tpu.memory_space<vmem>>
    %dma_wait3A_244 = arith.constant 800896 : i32
    %dma_wait3A_245 = tpu.memref_slice %arg2[%dma_wait3A_244] : memref<1601536xf32, #tpu.memory_space<hbm>> -> memref<800640xf32, #tpu.memory_space<hbm>>
    %dma_wait3A_246 = arith.constant 0 : i32
    %dma_wait3A_247 = tpu.memref_slice %dma_wait3A_245[%dma_wait3A_246] : memref<800640xf32, #tpu.memory_space<hbm>> -> memref<800640xf32, #tpu.memory_space<hbm>>
    tpu.wait_indirect_dma semaphore(%arg14 : memref<!tpu.dma_semaphore, #tpu.memory_space<semaphore_mem>>) src(%dma_wait3A_247 : memref<800640xf32, #tpu.memory_space<hbm>>) dst(%dma_wait3A_243 : memref<512xf32, #tpu.memory_space<vmem>>)
    %scan3A_248 = arith.constant 0 : i32
    %scan3A_249 = arith.constant 32 : i32
    %scan3A_250 = arith.addi %scan3A_248, %scan3A_249 : i32
    %scan3A_251 = arith.constant 1 : i32
    %scan3A_252 = scf.for %scan3A_353 = %scan3A_248 to %scan3A_250 step %scan3A_251 iter_args(%scan3A_354 = %scan3A_240) -> (vector<16xf32>)  : i32 {
      %mul3A_355 = arith.constant 16 : i32
      %mul3A_356 = arith.muli %scan3A_353, %mul3A_355 : i32
      %add3A_357 = arith.constant 4608 : i32
      %add3A_358 = arith.addi %add3A_357, %mul3A_356 : i32
      %get3A = arith.index_cast %add3A_358 : i32 to index
      %get3A_359 = tpu.vector_load %arg11[%get3A] {strides = array<i32>} : memref<8192xf32, #tpu.memory_space<vmem>>, vector<16xf32>,
      %get3A_360 = arith.index_cast %add3A_358 : i32 to index
      %get3A_361 = tpu.vector_load %arg10[%get3A_360] {strides = array<i32>} : memref<8192xf32, #tpu.memory_space<vmem>>, vector<16xf32>,
      %mul3A_362 = arith.mulf %get3A_359, %get3A_361 : vector<16xf32>
      %add3A_363 = arith.addf %scan3A_354, %mul3A_362 : vector<16xf32>
      scf.yield %add3A_363 : vector<16xf32>
    }
    %scan3A_253 = arith.constant 32 : i32
    %dma_wait3A_254 = arith.constant 5120 : i32
    %dma_wait3A_255 = tpu.memref_slice %arg10[%dma_wait3A_254] : memref<8192xf32, #tpu.memory_space<vmem>> -> memref<512xf32, #tpu.memory_space<vmem>>
    %dma_wait3A_256 = arith.constant 801024 : i32
    %dma_wait3A_257 = tpu.memref_slice %arg2[%dma_wait3A_256] : memref<1601536xf32, #tpu.memory_space<hbm>> -> memref<800512xf32, #tpu.memory_space<hbm>>
    %dma_wait3A_258 = arith.constant 0 : i32
    %dma_wait3A_259 = tpu.memref_slice %dma_wait3A_257[%dma_wait3A_258] : memref<800512xf32, #tpu.memory_space<hbm>> -> memref<800512xf32, #tpu.memory_space<hbm>>
    tpu.wait_indirect_dma semaphore(%arg14 : memref<!tpu.dma_semaphore, #tpu.memory_space<semaphore_mem>>) src(%dma_wait3A_259 : memref<800512xf32, #tpu.memory_space<hbm>>) dst(%dma_wait3A_255 : memref<512xf32, #tpu.memory_space<vmem>>)
    %scan3A_260 = arith.constant 0 : i32
    %scan3A_261 = arith.constant 32 : i32
    %scan3A_262 = arith.addi %scan3A_260, %scan3A_261 : i32
    %scan3A_263 = arith.constant 1 : i32
    %scan3A_264 = scf.for %scan3A_353 = %scan3A_260 to %scan3A_262 step %scan3A_263 iter_args(%scan3A_354 = %scan3A_252) -> (vector<16xf32>)  : i32 {
      %mul3A_355 = arith.constant 16 : i32
      %mul3A_356 = arith.muli %scan3A_353, %mul3A_355 : i32
      %add3A_357 = arith.constant 5120 : i32
      %add3A_358 = arith.addi %add3A_357, %mul3A_356 : i32
      %get3A = arith.index_cast %add3A_358 : i32 to index
      %get3A_359 = tpu.vector_load %arg11[%get3A] {strides = array<i32>} : memref<8192xf32, #tpu.memory_space<vmem>>, vector<16xf32>,
      %get3A_360 = arith.index_cast %add3A_358 : i32 to index
      %get3A_361 = tpu.vector_load %arg10[%get3A_360] {strides = array<i32>} : memref<8192xf32, #tpu.memory_space<vmem>>, vector<16xf32>,
      %mul3A_362 = arith.mulf %get3A_359, %get3A_361 : vector<16xf32>
      %add3A_363 = arith.addf %scan3A_354, %mul3A_362 : vector<16xf32>
      scf.yield %add3A_363 : vector<16xf32>
    }
    %scan3A_265 = arith.constant 32 : i32
    %dma_wait3A_266 = arith.constant 5632 : i32
    %dma_wait3A_267 = tpu.memref_slice %arg10[%dma_wait3A_266] : memref<8192xf32, #tpu.memory_space<vmem>> -> memref<512xf32, #tpu.memory_space<vmem>>
    %dma_wait3A_268 = arith.constant 801152 : i32
    %dma_wait3A_269 = tpu.memref_slice %arg2[%dma_wait3A_268] : memref<1601536xf32, #tpu.memory_space<hbm>> -> memref<800384xf32, #tpu.memory_space<hbm>>
    %dma_wait3A_270 = arith.constant 0 : i32
    %dma_wait3A_271 = tpu.memref_slice %dma_wait3A_269[%dma_wait3A_270] : memref<800384xf32, #tpu.memory_space<hbm>> -> memref<800384xf32, #tpu.memory_space<hbm>>
    tpu.wait_indirect_dma semaphore(%arg14 : memref<!tpu.dma_semaphore, #tpu.memory_space<semaphore_mem>>) src(%dma_wait3A_271 : memref<800384xf32, #tpu.memory_space<hbm>>) dst(%dma_wait3A_267 : memref<512xf32, #tpu.memory_space<vmem>>)
    %scan3A_272 = arith.constant 0 : i32
    %scan3A_273 = arith.constant 32 : i32
    %scan3A_274 = arith.addi %scan3A_272, %scan3A_273 : i32
    %scan3A_275 = arith.constant 1 : i32
    %scan3A_276 = scf.for %scan3A_353 = %scan3A_272 to %scan3A_274 step %scan3A_275 iter_args(%scan3A_354 = %scan3A_264) -> (vector<16xf32>)  : i32 {
      %mul3A_355 = arith.constant 16 : i32
      %mul3A_356 = arith.muli %scan3A_353, %mul3A_355 : i32
      %add3A_357 = arith.constant 5632 : i32
      %add3A_358 = arith.addi %add3A_357, %mul3A_356 : i32
      %get3A = arith.index_cast %add3A_358 : i32 to index
      %get3A_359 = tpu.vector_load %arg11[%get3A] {strides = array<i32>} : memref<8192xf32, #tpu.memory_space<vmem>>, vector<16xf32>,
      %get3A_360 = arith.index_cast %add3A_358 : i32 to index
      %get3A_361 = tpu.vector_load %arg10[%get3A_360] {strides = array<i32>} : memref<8192xf32, #tpu.memory_space<vmem>>, vector<16xf32>,
      %mul3A_362 = arith.mulf %get3A_359, %get3A_361 : vector<16xf32>
      %add3A_363 = arith.addf %scan3A_354, %mul3A_362 : vector<16xf32>
      scf.yield %add3A_363 : vector<16xf32>
    }
    %scan3A_277 = arith.constant 32 : i32
    %dma_wait3A_278 = arith.constant 6144 : i32
    %dma_wait3A_279 = tpu.memref_slice %arg10[%dma_wait3A_278] : memref<8192xf32, #tpu.memory_space<vmem>> -> memref<512xf32, #tpu.memory_space<vmem>>
    %dma_wait3A_280 = arith.constant 801280 : i32
    %dma_wait3A_281 = tpu.memref_slice %arg2[%dma_wait3A_280] : memref<1601536xf32, #tpu.memory_space<hbm>> -> memref<800256xf32, #tpu.memory_space<hbm>>
    %dma_wait3A_282 = arith.constant 0 : i32
    %dma_wait3A_283 = tpu.memref_slice %dma_wait3A_281[%dma_wait3A_282] : memref<800256xf32, #tpu.memory_space<hbm>> -> memref<800256xf32, #tpu.memory_space<hbm>>
    tpu.wait_indirect_dma semaphore(%arg14 : memref<!tpu.dma_semaphore, #tpu.memory_space<semaphore_mem>>) src(%dma_wait3A_283 : memref<800256xf32, #tpu.memory_space<hbm>>) dst(%dma_wait3A_279 : memref<512xf32, #tpu.memory_space<vmem>>)
    %scan3A_284 = arith.constant 0 : i32
    %scan3A_285 = arith.constant 32 : i32
    %scan3A_286 = arith.addi %scan3A_284, %scan3A_285 : i32
    %scan3A_287 = arith.constant 1 : i32
    %scan3A_288 = scf.for %scan3A_353 = %scan3A_284 to %scan3A_286 step %scan3A_287 iter_args(%scan3A_354 = %scan3A_276) -> (vector<16xf32>)  : i32 {
      %mul3A_355 = arith.constant 16 : i32
      %mul3A_356 = arith.muli %scan3A_353, %mul3A_355 : i32
      %add3A_357 = arith.constant 6144 : i32
      %add3A_358 = arith.addi %add3A_357, %mul3A_356 : i32
      %get3A = arith.index_cast %add3A_358 : i32 to index
      %get3A_359 = tpu.vector_load %arg11[%get3A] {strides = array<i32>} : memref<8192xf32, #tpu.memory_space<vmem>>, vector<16xf32>,
      %get3A_360 = arith.index_cast %add3A_358 : i32 to index
      %get3A_361 = tpu.vector_load %arg10[%get3A_360] {strides = array<i32>} : memref<8192xf32, #tpu.memory_space<vmem>>, vector<16xf32>,
      %mul3A_362 = arith.mulf %get3A_359, %get3A_361 : vector<16xf32>
      %add3A_363 = arith.addf %scan3A_354, %mul3A_362 : vector<16xf32>
      scf.yield %add3A_363 : vector<16xf32>
    }
    %scan3A_289 = arith.constant 32 : i32
    %dma_wait3A_290 = arith.constant 6656 : i32
    %dma_wait3A_291 = tpu.memref_slice %arg10[%dma_wait3A_290] : memref<8192xf32, #tpu.memory_space<vmem>> -> memref<512xf32, #tpu.memory_space<vmem>>
    %dma_wait3A_292 = arith.constant 801408 : i32
    %dma_wait3A_293 = tpu.memref_slice %arg2[%dma_wait3A_292] : memref<1601536xf32, #tpu.memory_space<hbm>> -> memref<800128xf32, #tpu.memory_space<hbm>>
    %dma_wait3A_294 = arith.constant 0 : i32
    %dma_wait3A_295 = tpu.memref_slice %dma_wait3A_293[%dma_wait3A_294] : memref<800128xf32, #tpu.memory_space<hbm>> -> memref<800128xf32, #tpu.memory_space<hbm>>
    tpu.wait_indirect_dma semaphore(%arg14 : memref<!tpu.dma_semaphore, #tpu.memory_space<semaphore_mem>>) src(%dma_wait3A_295 : memref<800128xf32, #tpu.memory_space<hbm>>) dst(%dma_wait3A_291 : memref<512xf32, #tpu.memory_space<vmem>>)
    %scan3A_296 = arith.constant 0 : i32
    %scan3A_297 = arith.constant 32 : i32
    %scan3A_298 = arith.addi %scan3A_296, %scan3A_297 : i32
    %scan3A_299 = arith.constant 1 : i32
    %scan3A_300 = scf.for %scan3A_353 = %scan3A_296 to %scan3A_298 step %scan3A_299 iter_args(%scan3A_354 = %scan3A_288) -> (vector<16xf32>)  : i32 {
      %mul3A_355 = arith.constant 16 : i32
      %mul3A_356 = arith.muli %scan3A_353, %mul3A_355 : i32
      %add3A_357 = arith.constant 6656 : i32
      %add3A_358 = arith.addi %add3A_357, %mul3A_356 : i32
      %get3A = arith.index_cast %add3A_358 : i32 to index
      %get3A_359 = tpu.vector_load %arg11[%get3A] {strides = array<i32>} : memref<8192xf32, #tpu.memory_space<vmem>>, vector<16xf32>,
      %get3A_360 = arith.index_cast %add3A_358 : i32 to index
      %get3A_361 = tpu.vector_load %arg10[%get3A_360] {strides = array<i32>} : memref<8192xf32, #tpu.memory_space<vmem>>, vector<16xf32>,
      %mul3A_362 = arith.mulf %get3A_359, %get3A_361 : vector<16xf32>
      %add3A_363 = arith.addf %scan3A_354, %mul3A_362 : vector<16xf32>
      scf.yield %add3A_363 : vector<16xf32>
    }
    %scan3A_301 = arith.constant 32 : i32
    %dma_wait3A_302 = arith.constant 7168 : i32
    %dma_wait3A_303 = tpu.memref_slice %arg10[%dma_wait3A_302] : memref<8192xf32, #tpu.memory_space<vmem>> -> memref<512xf32, #tpu.memory_space<vmem>>
    %dma_wait3A_304 = arith.constant 801536 : i32
    %dma_wait3A_305 = tpu.memref_slice %arg2[%dma_wait3A_304] : memref<1601536xf32, #tpu.memory_space<hbm>> -> memref<800000xf32, #tpu.memory_space<hbm>>
    %dma_wait3A_306 = arith.constant 0 : i32
    %dma_wait3A_307 = tpu.memref_slice %dma_wait3A_305[%dma_wait3A_306] : memref<800000xf32, #tpu.memory_space<hbm>> -> memref<800000xf32, #tpu.memory_space<hbm>>
    tpu.wait_indirect_dma semaphore(%arg14 : memref<!tpu.dma_semaphore, #tpu.memory_space<semaphore_mem>>) src(%dma_wait3A_307 : memref<800000xf32, #tpu.memory_space<hbm>>) dst(%dma_wait3A_303 : memref<512xf32, #tpu.memory_space<vmem>>)
    %scan3A_308 = arith.constant 0 : i32
    %scan3A_309 = arith.constant 32 : i32
    %scan3A_310 = arith.addi %scan3A_308, %scan3A_309 : i32
    %scan3A_311 = arith.constant 1 : i32
    %scan3A_312 = scf.for %scan3A_353 = %scan3A_308 to %scan3A_310 step %scan3A_311 iter_args(%scan3A_354 = %scan3A_300) -> (vector<16xf32>)  : i32 {
      %mul3A_355 = arith.constant 16 : i32
      %mul3A_356 = arith.muli %scan3A_353, %mul3A_355 : i32
      %add3A_357 = arith.constant 7168 : i32
      %add3A_358 = arith.addi %add3A_357, %mul3A_356 : i32
      %get3A = arith.index_cast %add3A_358 : i32 to index
      %get3A_359 = tpu.vector_load %arg11[%get3A] {strides = array<i32>} : memref<8192xf32, #tpu.memory_space<vmem>>, vector<16xf32>,
      %get3A_360 = arith.index_cast %add3A_358 : i32 to index
      %get3A_361 = tpu.vector_load %arg10[%get3A_360] {strides = array<i32>} : memref<8192xf32, #tpu.memory_space<vmem>>, vector<16xf32>,
      %mul3A_362 = arith.mulf %get3A_359, %get3A_361 : vector<16xf32>
      %add3A_363 = arith.addf %scan3A_354, %mul3A_362 : vector<16xf32>
      scf.yield %add3A_363 : vector<16xf32>
    }
    %scan3A_313 = arith.constant 32 : i32
    %dma_wait3A_314 = arith.constant 7680 : i32
    %dma_wait3A_315 = tpu.memref_slice %arg10[%dma_wait3A_314] : memref<8192xf32, #tpu.memory_space<vmem>> -> memref<512xf32, #tpu.memory_space<vmem>>
    %dma_wait3A_316 = arith.constant 801664 : i32
    %dma_wait3A_317 = tpu.memref_slice %arg2[%dma_wait3A_316] : memref<1601536xf32, #tpu.memory_space<hbm>> -> memref<799872xf32, #tpu.memory_space<hbm>>
    %dma_wait3A_318 = arith.constant 0 : i32
    %dma_wait3A_319 = tpu.memref_slice %dma_wait3A_317[%dma_wait3A_318] : memref<799872xf32, #tpu.memory_space<hbm>> -> memref<799872xf32, #tpu.memory_space<hbm>>
    tpu.wait_indirect_dma semaphore(%arg14 : memref<!tpu.dma_semaphore, #tpu.memory_space<semaphore_mem>>) src(%dma_wait3A_319 : memref<799872xf32, #tpu.memory_space<hbm>>) dst(%dma_wait3A_315 : memref<512xf32, #tpu.memory_space<vmem>>)
    %scan3A_320 = arith.constant 0 : i32
    %scan3A_321 = arith.constant 32 : i32
    %scan3A_322 = arith.addi %scan3A_320, %scan3A_321 : i32
    %scan3A_323 = arith.constant 1 : i32
    %scan3A_324 = scf.for %scan3A_353 = %scan3A_320 to %scan3A_322 step %scan3A_323 iter_args(%scan3A_354 = %scan3A_312) -> (vector<16xf32>)  : i32 {
      %mul3A_355 = arith.constant 16 : i32
      %mul3A_356 = arith.muli %scan3A_353, %mul3A_355 : i32
      %add3A_357 = arith.constant 7680 : i32
      %add3A_358 = arith.addi %add3A_357, %mul3A_356 : i32
      %get3A = arith.index_cast %add3A_358 : i32 to index
      %get3A_359 = tpu.vector_load %arg11[%get3A] {strides = array<i32>} : memref<8192xf32, #tpu.memory_space<vmem>>, vector<16xf32>,
      %get3A_360 = arith.index_cast %add3A_358 : i32 to index
      %get3A_361 = tpu.vector_load %arg10[%get3A_360] {strides = array<i32>} : memref<8192xf32, #tpu.memory_space<vmem>>, vector<16xf32>,
      %mul3A_362 = arith.mulf %get3A_359, %get3A_361 : vector<16xf32>
      %add3A_363 = arith.addf %scan3A_354, %mul3A_362 : vector<16xf32>
      scf.yield %add3A_363 : vector<16xf32>
    }
    %scan3A_325 = arith.constant 32 : i32
    %swap3A = arith.constant 0 : index
    %swap3A_326 = tpu.vector_load %arg13[%swap3A] {strides = array<i32>} : memref<16xf32, #tpu.memory_space<vmem>>, vector<16xf32>,
    tpu.vector_store %arg13[%swap3A], %scan3A_324 {strides = array<i32>} : memref<16xf32, #tpu.memory_space<vmem>>, vector<16xf32>,
    %mul3A_327 = arith.constant 16 : i32
    %mul3A_328 = arith.muli %add3A, %mul3A_327 : i32
    "tpu.region"() ({
      %run_scoped3A = tpu.sem_alloc : memref<!tpu.dma_semaphore, #tpu.memory_space<semaphore_mem>>
      %dma_start3A_353 = tpu.memref_slice %arg6[%mul3A_328] : memref<512xf32, #tpu.memory_space<hbm>> -> memref<16xf32, #tpu.memory_space<hbm>>
      %dma_start3A_354 = tpu.memref_slice %arg6[%mul3A_328] : memref<512xf32, #tpu.memory_space<hbm>> -> memref<16xf32, #tpu.memory_space<hbm>>
      tpu.enqueue_dma source(%arg13 : memref<16xf32, #tpu.memory_space<vmem>>) target(%dma_start3A_354 : memref<16xf32, #tpu.memory_space<hbm>>) target_semaphore(%run_scoped3A : memref<!tpu.dma_semaphore, #tpu.memory_space<semaphore_mem>>)
      %dma_wait3A_355 = tpu.memref_slice %arg6[%mul3A_328] : memref<512xf32, #tpu.memory_space<hbm>> -> memref<16xf32, #tpu.memory_space<hbm>>
      %dma_wait3A_356 = tpu.memref_slice %arg6[%mul3A_328] : memref<512xf32, #tpu.memory_space<hbm>> -> memref<16xf32, #tpu.memory_space<hbm>>
      tpu.wait_dma2 semaphore(%run_scoped3A : memref<!tpu.dma_semaphore, #tpu.memory_space<semaphore_mem>>) src(%arg13 : memref<16xf32, #tpu.memory_space<vmem>>) dst(%dma_wait3A_356 : memref<16xf32, #tpu.memory_space<hbm>>)
      tpu.yield
    }) : () -> ()
    %dma_wait3A_329 = arith.constant 0 : i32
    %dma_wait3A_330 = tpu.memref_slice %arg12[%dma_wait3A_329] : memref<512xf32, #tpu.memory_space<vmem>> -> memref<128xf32, #tpu.memory_space<vmem>>
    %dma_wait3A_331 = arith.constant 0 : i32
    %dma_wait3A_332 = tpu.memref_slice %arg8[%dma_wait3A_331] : memref<512xi32, #tpu.memory_space<vmem>> -> memref<128xi32, #tpu.memory_space<vmem>>
    %dma_wait3A_333 = arith.constant 0 : i32
    %dma_wait3A_334 = tpu.memref_slice %arg3[%dma_wait3A_333] : memref<100000xf32, #tpu.memory_space<hbm>> -> memref<100000xf32, #tpu.memory_space<hbm>>
    tpu.wait_indirect_dma semaphore(%arg15 : memref<!tpu.dma_semaphore, #tpu.memory_space<semaphore_mem>>) src(%dma_wait3A_334 : memref<100000xf32, #tpu.memory_space<hbm>>) dst(%dma_wait3A_330 : memref<128xf32, #tpu.memory_space<vmem>>)
    %dma_wait3A_335 = arith.constant 128 : i32
    %dma_wait3A_336 = tpu.memref_slice %arg12[%dma_wait3A_335] : memref<512xf32, #tpu.memory_space<vmem>> -> memref<128xf32, #tpu.memory_space<vmem>>
    %dma_wait3A_337 = arith.constant 128 : i32
    %dma_wait3A_338 = tpu.memref_slice %arg8[%dma_wait3A_337] : memref<512xi32, #tpu.memory_space<vmem>> -> memref<128xi32, #tpu.memory_space<vmem>>
    %dma_wait3A_339 = arith.constant 0 : i32
    %dma_wait3A_340 = tpu.memref_slice %arg3[%dma_wait3A_339] : memref<100000xf32, #tpu.memory_space<hbm>> -> memref<100000xf32, #tpu.memory_space<hbm>>
    tpu.wait_indirect_dma semaphore(%arg15 : memref<!tpu.dma_semaphore, #tpu.memory_space<semaphore_mem>>) src(%dma_wait3A_340 : memref<100000xf32, #tpu.memory_space<hbm>>) dst(%dma_wait3A_336 : memref<128xf32, #tpu.memory_space<vmem>>)
    %dma_wait3A_341 = arith.constant 256 : i32
    %dma_wait3A_342 = tpu.memref_slice %arg12[%dma_wait3A_341] : memref<512xf32, #tpu.memory_space<vmem>> -> memref<128xf32, #tpu.memory_space<vmem>>
    %dma_wait3A_343 = arith.constant 256 : i32
    %dma_wait3A_344 = tpu.memref_slice %arg8[%dma_wait3A_343] : memref<512xi32, #tpu.memory_space<vmem>> -> memref<128xi32, #tpu.memory_space<vmem>>
    %dma_wait3A_345 = arith.constant 0 : i32
    %dma_wait3A_346 = tpu.memref_slice %arg3[%dma_wait3A_345] : memref<100000xf32, #tpu.memory_space<hbm>> -> memref<100000xf32, #tpu.memory_space<hbm>>
    tpu.wait_indirect_dma semaphore(%arg15 : memref<!tpu.dma_semaphore, #tpu.memory_space<semaphore_mem>>) src(%dma_wait3A_346 : memref<100000xf32, #tpu.memory_space<hbm>>) dst(%dma_wait3A_342 : memref<128xf32, #tpu.memory_space<vmem>>)
    %dma_wait3A_347 = arith.constant 384 : i32
    %dma_wait3A_348 = tpu.memref_slice %arg12[%dma_wait3A_347] : memref<512xf32, #tpu.memory_space<vmem>> -> memref<128xf32, #tpu.memory_space<vmem>>
    %dma_wait3A_349 = arith.constant 384 : i32
    %dma_wait3A_350 = tpu.memref_slice %arg8[%dma_wait3A_349] : memref<512xi32, #tpu.memory_space<vmem>> -> memref<128xi32, #tpu.memory_space<vmem>>
    %dma_wait3A_351 = arith.constant 0 : i32
    %dma_wait3A_352 = tpu.memref_slice %arg3[%dma_wait3A_351] : memref<100000xf32, #tpu.memory_space<hbm>> -> memref<100000xf32, #tpu.memory_space<hbm>>
    tpu.wait_indirect_dma semaphore(%arg15 : memref<!tpu.dma_semaphore, #tpu.memory_space<semaphore_mem>>) src(%dma_wait3A_352 : memref<100000xf32, #tpu.memory_space<hbm>>) dst(%dma_wait3A_348 : memref<128xf32, #tpu.memory_space<vmem>>)
    "tpu.region"() ({
      %run_scoped3A = tpu.sem_alloc : memref<!tpu.dma_semaphore, #tpu.memory_space<semaphore_mem>>
      %dma_start3A_353 = tpu.memref_slice %arg7[%mul3A_2] : memref<16384xf32, #tpu.memory_space<hbm>> -> memref<512xf32, #tpu.memory_space<hbm>>
      %dma_start3A_354 = tpu.memref_slice %arg7[%mul3A_2] : memref<16384xf32, #tpu.memory_space<hbm>> -> memref<512xf32, #tpu.memory_space<hbm>>
      tpu.enqueue_dma source(%arg12 : memref<512xf32, #tpu.memory_space<vmem>>) target(%dma_start3A_354 : memref<512xf32, #tpu.memory_space<hbm>>) target_semaphore(%run_scoped3A : memref<!tpu.dma_semaphore, #tpu.memory_space<semaphore_mem>>)
      %dma_wait3A_355 = tpu.memref_slice %arg7[%mul3A_2] : memref<16384xf32, #tpu.memory_space<hbm>> -> memref<512xf32, #tpu.memory_space<hbm>>
      %dma_wait3A_356 = tpu.memref_slice %arg7[%mul3A_2] : memref<16384xf32, #tpu.memory_space<hbm>> -> memref<512xf32, #tpu.memory_space<hbm>>
      tpu.wait_dma2 semaphore(%run_scoped3A : memref<!tpu.dma_semaphore, #tpu.memory_space<semaphore_mem>>) src(%arg12 : memref<512xf32, #tpu.memory_space<vmem>>) dst(%dma_wait3A_356 : memref<512xf32, #tpu.memory_space<hbm>>)
      tpu.yield
    }) : () -> ()
    return
  }
}

module attributes {stable_mosaic.version = 14 : i64} {
  func.func @body(%arg0: memref<4x128xf32, #tpu.memory_space<vmem>>, %arg1: memref<128x128xf32, #tpu.memory_space<vmem>>, %arg2: memref<128x128xf32, #tpu.memory_space<vmem>>, %arg3: memref<128x128xf32, #tpu.memory_space<vmem>>) attributes {dimension_semantics = [], scalar_prefetch = 0 : i64, scratch_operands = 0 : i64, tpu.core_type = #tpu.core_type<tc>} {
    %get3A = arith.constant 0 : index
    %get3A_0 = arith.constant 0 : index
    %get3A_1 = vector.load %arg0[%get3A, %get3A_0] : memref<4x128xf32, #tpu.memory_space<vmem>>, vector<4x128xf32>
    %reduce_sum3A = vector.shape_cast %get3A_1 : vector<4x128xf32> to vector<1x4x128xf32>
    %reduce_sum3A_2 = arith.constant dense<0.000000e+00> : vector<1xf32>
    %reduce_sum3A_3 = vector.multi_reduction <add>, %reduce_sum3A, %reduce_sum3A_2 [1, 2] : vector<1x4x128xf32> to vector<1xf32>
    %reduce_sum3A_4 = vector.shape_cast %reduce_sum3A_3 : vector<1xf32> to vector<1x1x1xf32>
    %reduce_sum3A_5 = vector.extract %reduce_sum3A_4[0, 0, 0] : f32 from vector<1x1x1xf32>
    %get3A_6 = arith.constant 0 : index
    %get3A_7 = arith.constant 0 : index
    %get3A_8 = vector.load %arg1[%get3A_6, %get3A_7] : memref<128x128xf32, #tpu.memory_space<vmem>>, vector<128x128xf32>
    %get3A_9 = arith.constant 0 : index
    %get3A_10 = arith.constant 0 : index
    %get3A_11 = vector.load %arg2[%get3A_9, %get3A_10] : memref<128x128xf32, #tpu.memory_space<vmem>>, vector<128x128xf32>
    %add3A = arith.addf %get3A_8, %get3A_11 : vector<128x128xf32>
    %add3A_12 = vector.broadcast %reduce_sum3A_5 : f32 to vector<128x128xf32>
    %add3A_13 = arith.addf %add3A, %add3A_12 : vector<128x128xf32>
    %logistic3A = arith.negf %add3A_13 : vector<128x128xf32>
    %logistic3A_14 = math.exp %logistic3A : vector<128x128xf32>
    %logistic3A_15 = arith.constant 1.000000e+00 : f32
    %logistic3A_16 = vector.broadcast %logistic3A_15 : f32 to vector<128x128xf32>
    %logistic3A_17 = arith.addf %logistic3A_16, %logistic3A_14 : vector<128x128xf32>
    %logistic3A_18 = arith.divf %logistic3A_16, %logistic3A_17 : vector<128x128xf32>
    %swap3A = arith.constant 0 : index
    %swap3A_19 = arith.constant 0 : index
    %swap3A_20 = vector.load %arg3[%swap3A, %swap3A_19] : memref<128x128xf32, #tpu.memory_space<vmem>>, vector<128x128xf32>
    tpu.vector_store %arg3[%swap3A, %swap3A_19], %logistic3A_18 {strides = array<i32>} : memref<128x128xf32, #tpu.memory_space<vmem>>, vector<128x128xf32>,
    return
  }
}

</mosaic_0001>

<sc_bundles>
// kernel: kernel.5.cloned.1.call-start
scs
__scs_entry_jumppad:
0x0: {  	(pc) =	sbr.rel $0x88, $3  }
0x1: {  	(tag) =	ssettag $0x0;
	lr =	simm.s32 $0x1  }
0x2: {  	[smem:$0x3F9C] =	sst lr;
	_ =	strace $0xD0000000  }
0x3: {  	_ = 	snop  }
0x4: {  	_ = 	snop  }
0x5: {  	_ = 	snop  }
0x6: {  	_ = 	snop  }
0x7: {  	_ = 	snop  }
__scs_overlays_trampoline_lowered:
0x8: {  	[smem:$0x3FAB] =	sst s0  }
0x9: {  	[smem:$0x3FAC] =	sst s1  }
0xa: {  	[smem:$0x3FAD] =	sst s2  }
0xb: {  	[smem:$0x3FAE] =	sst s3  }
0xc: {  	[smem:$0x3FAF] =	sst s4  }
0xd: {  	[smem:$0x3FB0] =	sst s5  }
0xe: {  	[smem:$0x3FB1] =	sst s6  }
0xf: {  	[smem:$0x3FB2] =	sst s7  }
0x10: {  	[smem:$0x3FB3] =	sst s8  }
0x11: {  	[smem:$0x3FB4] =	sst s9;
	s0 =	simm.s32 @!p0 $0x0  }
0x12: {  	s1 =	sld [smem:$0x3F9A];
	s0 =	simm.s32 @p0 $0x1  }
0x13: {  	[smem:$0x3FB5] =	sst s0;
	s0 =	simm.s32 @!p1 $0x0  }
0x14: {  	s2 =	sld [smem:$0x3F99];
	s0 =	simm.s32 @p1 $0x1  }
0x15: {  	[smem:$0x3FB6] =	sst s0;
	s0 =	simm.s32 @!p2 $0x0  }
0x16: {  	s3 =	sld [smem:$0x3FDB];
	s0 =	simm.s32 @p2 $0x1  }
0x17: {  	s4 =	simm.s32 $0x1BF5;
	[smem:$0x3FB8] =	sst s0  }
0x18: {  	s0 =	sld [smem:$0x3F9B];
	_ =	swait.ge [sflag:s4], $0x0  }
0x19: {  	s7 =	sld [smem:$0x3F9C]  }
0x1a: {  	s8 =	sadd.s32 $0xFFFFE003, lr  }
0x1b: {  	s9 =	sadd.s32 $0xFFFFFEF7, lr;
	s5 =	simm.s32 $0xFFFFFFFF;
	p2 =	slt.u32 s8, $0xFFFFF086  }
0x1c: {  	p1 =	slt.u32 s9, $0xF7A;
	s5 =	simm.s32 @!p2 $0x0  }
0x1d: {  	s5 =	simm.s32 @p1 $0x1;
	p0 =	seq.s32 s7, s2  }
0x1e: {  	s7 =	smul.u32 @!p0 $0xF7A, s2;
	p2 =	seq.s32 @!p0 s5, $0x0  }
0x1f: {  	s9 =	smul.u32 $0xF7A, s1;
	s8 =	simm.s32 @!p0 $0x1BF5;
	p2 =	por !p2, p0  }
0x20: {  	[sflag:s8] =	ssyncset.s32 @!p0 $0xFFFFF086;
	s6 =	sadd.s32 @!p0 s3, s7;
	s7 =	simm.s32 @!p0 $0x108  }
0x21: {  	s3 =	sadd.s32 s3, s9;
	s6 =	sadd.s32 @!p0 $0x88, s6;
	s7 =	simm.s32 @p2 $0x1082  }
0x22: {  	[simem:s7], [sflag:s8] =	dma.local @!p0 [hbm:s6], $0xF7A  }
0x23: {  	s9 =	sor.u32 $0xD0000000, s2;
	s6 =	simm.s32 $0x108;
	_ =	swait.ge @!p0 [sflag:s8], $0x0  }
0x24: {  	s3 =	sadd.s32 $0x88, s3;
	s6 =	simm.s32 @!p1 $0x1082;
	[sflag:s4] =	ssyncset.s32 $0xFFFFF086  }
0x25: {  	[simem:s6], [sflag:s4] =	dma.local [hbm:s3], $0xF7A  }
0x26: {  	[smem:$0x3F9C] =	sst s1;
	(tag) =	ssettag s2;
	_ =	strace s9  }
0x27: {  	s1 =	sld [smem:$0x3FAC]  }
0x28: {  	s2 =	sld [smem:$0x3FAD]  }
0x29: {  	s4 =	sld [smem:$0x3FAF]  }
0x2a: {  	p0 =	seq.s32 s5, $0x0;
	s5 =	sld [smem:$0x3FB0]  }
0x2b: {  	s6 =	sld [smem:$0x3FB1]  }
0x2c: {  	s7 =	sld [smem:$0x3FB2]  }
0x2d: {  	s3 =	simm.s32 $0x108;
	s8 =	sld [smem:$0x3FB3]  }
0x2e: {  	s3 =	simm.s32 @!p0 $0x1082;
	s9 =	sld [smem:$0x3FB4]  }
0x2f: {  	lr =	sadd.s32 s0, s3;
	s0 =	sld [smem:$0x3FAB]  }
0x30: {  	s3 =	sld [smem:$0x3FAE]  }
0x31: {  	[smem:$0x3FB7] =	sst s10  }
0x32: {  	s10 =	sld [smem:$0x3FB5];
	_ =	sdelay $0x3  }
0x33: {  	p0 =	seq.s32 s10, $0x1;
	s10 =	sld [smem:$0x3FB7];
	_ =	sdelay $0x3  }
0x34: {  	[smem:$0x3FB7] =	sst s10  }
0x35: {  	s10 =	sld [smem:$0x3FB6];
	_ =	sdelay $0x3  }
0x36: {  	p1 =	seq.s32 s10, $0x1;
	s10 =	sld [smem:$0x3FB7];
	_ =	sdelay $0x3  }
0x37: {  	[smem:$0x3FB7] =	sst s10  }
0x38: {  	s10 =	sld [smem:$0x3FB8]  }
0x39: {  	_ = 	snop;
	(pc) =	sbr.ind lr, $3  }
0x3a: {  	_ = 	snop  }
0x3b: {  	_ = 	snop  }
0x3c: {  	p2 =	seq.s32 s10, $0x1;
	s10 =	sld [smem:$0x3FB7]  }
0x3d: {  	_ =	shalt  }
0x3e: {  	_ =	shalt  }
0x3f: {  	_ =	shalt  }
0x40: {  	_ =	shalt  }
0x41: {  	_ =	shalt  }
0x42: {  	_ =	shalt  }
0x43: {  	_ =	shalt  }
0x44: {  	_ =	shalt  }
0x45: {  	_ =	shalt  }
0x46: {  	_ =	shalt  }
0x47: {  	_ =	shalt  }
0x48: {  	_ =	shalt  }
0x49: {  	_ =	shalt  }
0x4a: {  	_ =	shalt  }
0x4b: {  	_ =	shalt  }
0x4c: {  	_ =	shalt  }
0x4d: {  	_ =	shalt  }
0x4e: {  	_ =	shalt  }
0x4f: {  	_ =	shalt  }
0x50: {  	_ =	shalt  }
0x51: {  	_ =	shalt  }
0x52: {  	_ =	shalt  }
0x53: {  	_ =	shalt  }
0x54: {  	_ =	shalt  }
0x55: {  	_ =	shalt  }
0x56: {  	_ =	shalt  }
0x57: {  	_ =	shalt  }
0x58: {  	_ =	shalt  }
0x59: {  	_ =	shalt  }
0x5a: {  	_ =	shalt  }
0x5b: {  	_ =	shalt  }
0x5c: {  	_ =	shalt  }
0x5d: {  	_ =	shalt  }
0x5e: {  	_ =	shalt  }
0x5f: {  	_ =	shalt  }
0x60: {  	_ =	shalt  }
0x61: {  	_ =	shalt  }
0x62: {  	_ =	shalt  }
0x63: {  	_ =	shalt  }
0x64: {  	_ =	shalt  }
0x65: {  	_ =	shalt  }
0x66: {  	_ =	shalt  }
0x67: {  	_ =	shalt  }
0x68: {  	_ =	shalt  }
0x69: {  	_ =	shalt  }
0x6a: {  	_ =	shalt  }
0x6b: {  	_ =	shalt  }
0x6c: {  	_ =	shalt  }
0x6d: {  	_ =	shalt  }
0x6e: {  	_ =	shalt  }
0x6f: {  	_ =	shalt  }
0x70: {  	_ =	shalt  }
0x71: {  	_ =	shalt  }
0x72: {  	_ =	shalt  }
0x73: {  	_ =	shalt  }
0x74: {  	_ =	shalt  }
0x75: {  	_ =	shalt  }
0x76: {  	_ =	shalt  }
0x77: {  	_ =	shalt  }
0x78: {  	_ =	shalt  }
0x79: {  	_ =	shalt  }
0x7a: {  	_ =	shalt  }
0x7b: {  	_ =	shalt  }
0x7c: {  	_ =	shalt  }
0x7d: {  	_ =	shalt  }
0x7e: {  	_ =	shalt  }
0x7f: {  	_ =	shalt  }
0x80: {  	_ =	shalt  }
0x81: {  	_ =	shalt  }
0x82: {  	_ =	shalt  }
0x83: {  	_ =	shalt  }
0x84: {  	_ =	shalt  }
0x85: {  	_ =	shalt  }
0x86: {  	_ =	shalt  }
0x87: {  	_ =	shalt  }
.Lfunc_end0:
.L_simem_size_0:
called_computation_lowered:
.L_overlay_start_0:
0x88: {  	s2 =	sld [smem:$0x3FD9]  }
0x89: {  	s3 =	sld [smem:$0x3FFE];
	_ =	sdelay $0x1  }
0x8a: {  	s1 =	srdreg.scid  }
0x8b: {  	s0 =	sand.u32 $0x1, s1  }
0x8c: {  	s17 =	sshll.u32 s0, $0xA;
	s2 =	sadd.s32 s3, s2  }
0x8d: {  	s2 =	sadd.s32 s2, s17  }
0x8e: {  	[smem:$0x3FC3] =	sst s2  }
0x8f: {  	_ = 	snop  }
0x90: {  	s2 =	sld [smem:$0x3FD0];
	(tm) =	ssettm $0x1  }
0x91: {  	s18 =	sld [smem:$0x3FFB];
	_ =	sdelay $0x3  }
0x92: {  	_ =	strace s18  }
0x93: {  	s3 =	sld [smem:$0x3FFC];
	_ =	sdelay $0x3  }
0x94: {  	_ =	strace s3  }
0x95: {  	s3 =	sld [smem:$0x3FFD];
	_ =	sdelay $0x3  }
0x96: {  	_ =	strace s3  }
0x97: {  	_ =	strace $0x8FFFFFFF  }
0x98: {  	s19 =	sld [smem:$0x3FDB];
	_ =	sdelay $0x1  }
0x99: {  	s4 =	simm.s32 $_scs_section_size  }
0x9a: {  	s5 =	simm.s32 $_size__tile_overlayer_lowered;
	s6 =	simm.s32 $_tile_overlayer_lowered  }
0x9b: {  	s22 =	simm.s32 $0x1BFF;
	s21 =	sshll.u32 s6, $0x1;
	s3 =	sadd.s32 s4, s19  }
0x9c: {  	s7 =	simm.s32 $0x0;
	s20 =	sshll.u32 s5, $0x1;
	s5 =	sadd.s32 s21, s3  }
0x9d: {  	[timem:s7], [sflag:s22] =	dma.local [hbm:s5], s20  }
0x9e: {  	_ =	swait.ge [sflag:s22], s20  }
0x9f: {  	s4 =	ssub.s32 $0x0, s20;
	[sflag:s22] =	ssyncset.done $0x0  }
0xa0: {  	[sflag:s22] =	ssyncadd.s32 s4;
	_ =	sdelay $0x1  }
0xa1: {  	s23 =	simm.s32 $0x1B8B  }
0xa2: {  	_ =	swait.ge [sflag:s23], $0x1  }
0xa3: {  	[sflag:s23] =	ssyncset.done $0x0  }
0xa4: {  	s25 =	simm.s32 $0x1B8E;
	s24 =	sld [smem:$0x3FFE];
	[sflag:s23] =	ssyncadd.s32 $0xFFFFFFFF  }
0xa5: {  	s26 =	simm.s32 $execute0_lowered;
	[smem:$0x3FD2] =	sst s25  }
0xa6: {  	s5 =	sshll.u32 s26, $0x1;
	_ =	strace $0x80000046;
	[dreg:$0x1] =	wrdreg $0xFFFFFFFF  }
0xa7: {  	s28 =	simm.s32 $_size_execute0_lowered;
	s3 =	sadd.s32 s3, s5;
	[dreg:$0x0] =	wrdreg $0x0  }
0xa8: {  	s5 =	sshll.u32 s28, $0x1;
	[dreg:$0x2] =	wrdreg s3  }
0xa9: {  	[dreg:$0x3] =	wrdreg s5  }
0xaa: {  	[dreg:$0x4] =	wrdreg $0xC0  }
0xab: {  	_ =	task [dreg:s7], $0x5FFFF  }
0xac: {  	[dreg:$0x1] =	wrdreg $0xFFFFFFFF  }
0xad: {  	[dreg:$0x0] =	wrdreg $0x60  }
0xae: {  	[dreg:$0x2] =	wrdreg s24  }
0xaf: {  	[dreg:$0x3] =	wrdreg s2  }
0xb0: {  	[dreg:$0x4] =	wrdreg $0x9  }
0xb1: {  	_ =	task.clear_ibuf [dreg:s7], $0x5FFFF;
	_ =	strace $0x90000046  }
0xb2: {  	s29 =	simm.s32 $0x9;
	_ =	strace $0x80000048  }
0xb3: {  	_ =	swait.ge [sflag:s29], $0x1  }
0xb4: {  	[sflag:s29] =	ssyncadd.s32 $0xFFFFFFFF  }
0xb5: {  	_ =	strace $0x90000048  }
0xb6: {  	_ =	sfence  }
0xb7: {  	s30 =	sld [smem:$0x0];
	_ =	sdelay $0x2  }
0xb8: {  	s31 =	sshll.u32 s1, $0xD;
	s1 =	sshrl.u32 s1, $0x2  }
0xb9: {  	s3 =	sand.u32 $0x4000, s31;
	s1 =	sadd.s32 s1, s30  }
0xba: {  	s0 =	sor.u32 s3, s0;
	s1 =	sshll.u32 s1, $0x11  }
0xbb: {  	s0 =	sor.u32 s1, s0  }
0xbc: {  	s0 =	sadd.s32 $0x8F2B, s0  }
0xbd: {  	[sflag:s0] =	ssyncadd.remote.s32 $0x1  }
0xbe: {  	_ =	sfence.sel $0xFFFF  }
0xbf: {  	[dreg:$0x0] =	wrdreg $0xFFFFFFFF;
	(pc) =	sbr.abs _section_cstart, $3  }
0xc0: {  	[dreg:$0x1] =	wrdreg $0xFFFFFFFF  }
0xc1: {  	_ =	task.clear_ibuf [dreg:s7], $0x2FFFF;
	_ =	strace $0x9FFFFFFF  }
0xc2: {  	(tm) =	ssettm $0x7FFFFFFF  }
0xc3: {  	_ =	shalt  }
tec
execute0_lowered:
.L_overlay_start_1:
0x0: {  	(tag) =	ssettag $0x1  }
0x1: {  	s0 =	rddreg [dreg:$0x0]  }
0x2: {  	s1 =	rddreg [dreg:$0x1];
	s2 =	simm.s32 $0x0;
	s3 =	srdreg.scid  }
0x3: {  	s4 =	stileid.u32;
	s24 =	simm.s32 $0x2;
	s25 =	simm.s32 $0x200  }
0x4: {  	s31 =	simm.s32 $0x80;
	s28 =	simm.s32 $0x1;
	s29 =	simm.s32 $0x0  }
0x5: {  	[smem:$0x7FF] =	sst s2;
	s5 =	sand.u32 $0x1, s3;
	s4 =	sshll.u32 s4, $0x1  }
0x6: {  	s26 =	sadd.s32 $0x1800, s0;
	s8 =	sadd.s32 $0x1830, s0;
	s9 =	sadd.s32 $0x1840, s0  }
0x7: {  	s10 =	sadd.s32 $0x1850, s0;
	s11 =	sadd.s32 $0x1860, s0;
	s12 =	sadd.s32 $0x1870, s0  }
0x8: {  	s13 =	sadd.s32 $0x19F00, s0;
	s14 =	sadd.s32 $0x19F10, s0;
	s15 =	sadd.s32 $0x19F20, s0  }
0x9: {  	s16 =	sadd.s32 $0x19F30, s0;
	s17 =	sadd.s32 $0x19F40, s0;
	s18 =	sadd.s32 $0x19F50, s0  }
0xa: {  	s19 =	sadd.s32 $0x19F60, s0;
	s20 =	sadd.s32 $0x19F70, s0;
	_ =	strace $0x80000047  }
0xb: {  	[dreg:$0x3] =	wrdreg s26;
	s6 =	sor.u32 s5, s4;
	s4 =	sadd.s32 $0x32600, s0  }
0xc: {  	s5 =	ssub.s32 $0x2, s5;
	s26 =	simm.s32 $0x400;
	s7 =	sshll.u32 s6, $0xA  }
0xd: {  	s6 =	sshll.u32 s6, $0x6;
	s30 =	sshrl.u32 s5, $0x1;
	s21 =	sadd.s32 s7, s0  }
0xe: {  	s22 =	sadd.s32 s6, s0;
	s23 =	ssub.s32 s5, s30;
	s5 =	sadd.s32 s1, s6  }
0xf: {  	s6 =	sadd.s32 $0x1810, s0;
	s7 =	sadd.s32 $0x1820, s0;
	s0 =	simm.s32 $0x2400  }
0x10: {  	s21 =	sadd.s32 $0x35800, s21;
	s22 =	sadd.s32 $0x3D800, s22;
	s23 =	smax.u32 s23, $0x1  }
.LBB2_1:
0x11: {  	[tilespmem:s2], [sflag:$0x2] =	stream.linear.gather [hbm4b:s5+s2], $0x200, $0x38;
	[tilespmem:$0x2600] =	vst v63  }
0x12: {  	_ =	swait.ge [sflag:s24], $0x200  }
0x13: {  	[sflag:s24] =	ssyncset.done $0x0  }
0x14: {  	s30 =	simm.s32 $0x0;
	[sflag:s24] =	ssyncadd.s32 $0xFFFFFE00  }
0x15: {  	s1 =	simm.s32 $0x40;
	v0 =	vld [tilespmem:s30+$0x0]  }
.LBB2_2:
0x16: {  	_ =	sdelay $0x1  }
0x17: {  	p0 =	sne.s32 s1, $0x7C0  }
.Ltmp0:
0x18: {  	_ = 	snop;
	(pc) =	sbr.rel @p0 .LBB2_2-.Ltmp0, $4  }
0x19: {  	v1 =	vshll.u32 v0, $0x3  }
0x1a: {  	v2 =	vand.u32 $0x7F, v0;
	v1 =	vand.u32 $0xFFFFFC00, v1  }
0x1b: {  	s3 =	sshra.s32 s1, $0x2;
	v1 =	vor.u32 v2, v1  }
0x1c: {  	s1 =	sadd.s32 $0x40, s1;
	v0 =	vld [tilespmem:s3+$0x0];
	[tilespmem:s30+$0x200] =	vst v1;
	s30 =	smov.u32 s3  }
0x1d: {  	_ =	sdelay $0x3  }
0x1e: {  	v1 =	vshll.u32 v0, $0x3  }
0x1f: {  	v63 =	vand.u32 $0x7F, v0;
	v1 =	vand.u32 $0xFFFFFC00, v1  }
0x20: {  	v0 =	vor.u32 v63, v1  }
0x21: {  	s1 =	rddreg [dreg:$0x3];
	[tilespmem:s30+$0x200] =	vst v0  }
0x22: {  	[tilespmem:s26], [sflag:$0x1] =	stream.indirect.gather [hbm4b:s1+s25], $0x1, s25, s25, $0xb8;
	[tilespmem:$0x2600] =	vst v63  }
0x23: {  	s30 =	simm.s32 $0x600  }
0x24: {  	[tilespmem:s30], [sflag:$0x1] =	stream.indirect.gather [hbm4b:s6+s25], $0x1, s25, s25, $0xb8;
	[tilespmem:$0x2600] =	vst v63  }
0x25: {  	s3 =	simm.s32 $0x800  }
0x26: {  	[tilespmem:s3], [sflag:$0x1] =	stream.indirect.gather [hbm4b:s7+s25], $0x1, s25, s25, $0xb8;
	[tilespmem:$0x2600] =	vst v63  }
0x27: {  	s30 =	simm.s32 $0xA00  }
0x28: {  	[tilespmem:s30], [sflag:$0x1] =	stream.indirect.gather [hbm4b:s8+s25], $0x1, s25, s25, $0xb8;
	[tilespmem:$0x2600] =	vst v63  }
0x29: {  	s3 =	simm.s32 $0xC00  }
0x2a: {  	[tilespmem:s3], [sflag:$0x1] =	stream.indirect.gather [hbm4b:s9+s25], $0x1, s25, s25, $0xb8;
	[tilespmem:$0x2600] =	vst v63  }
0x2b: {  	s30 =	simm.s32 $0xE00  }
0x2c: {  	[tilespmem:s30], [sflag:$0x1] =	stream.indirect.gather [hbm4b:s10+s25], $0x1, s25, s25, $0xb8;
	[tilespmem:$0x2600] =	vst v63  }
0x2d: {  	s3 =	simm.s32 $0x1000  }
0x2e: {  	[tilespmem:s3], [sflag:$0x1] =	stream.indirect.gather [hbm4b:s11+s25], $0x1, s25, s25, $0xb8;
	[tilespmem:$0x2600] =	vst v63  }
0x2f: {  	s30 =	simm.s32 $0x1200  }
0x30: {  	[tilespmem:s30], [sflag:$0x1] =	stream.indirect.gather [hbm4b:s12+s25], $0x1, s25, s25, $0xb8;
	[tilespmem:$0x2600] =	vst v63  }
0x31: {  	s3 =	simm.s32 $0x1400  }
0x32: {  	[tilespmem:s3], [sflag:$0x1] =	stream.indirect.gather [hbm4b:s13+s25], $0x1, s25, s25, $0xb8;
	[tilespmem:$0x2600] =	vst v63  }
0x33: {  	s30 =	simm.s32 $0x1600  }
0x34: {  	[tilespmem:s30], [sflag:$0x1] =	stream.indirect.gather [hbm4b:s14+s25], $0x1, s25, s25, $0xb8;
	[tilespmem:$0x2600] =	vst v63  }
0x35: {  	s3 =	simm.s32 $0x1800  }
0x36: {  	[tilespmem:s3], [sflag:$0x1] =	stream.indirect.gather [hbm4b:s15+s25], $0x1, s25, s25, $0xb8;
	[tilespmem:$0x2600] =	vst v63  }
0x37: {  	s30 =	simm.s32 $0x1A00  }
0x38: {  	[tilespmem:s30], [sflag:$0x1] =	stream.indirect.gather [hbm4b:s16+s25], $0x1, s25, s25, $0xb8;
	[tilespmem:$0x2600] =	vst v63  }
0x39: {  	s3 =	simm.s32 $0x1C00  }
0x3a: {  	[tilespmem:s3], [sflag:$0x1] =	stream.indirect.gather [hbm4b:s17+s25], $0x1, s25, s25, $0xb8;
	[tilespmem:$0x2600] =	vst v63  }
0x3b: {  	s30 =	simm.s32 $0x1E00  }
0x3c: {  	[tilespmem:s30], [sflag:$0x1] =	stream.indirect.gather [hbm4b:s18+s25], $0x1, s25, s25, $0xb8;
	[tilespmem:$0x2600] =	vst v63  }
0x3d: {  	s3 =	simm.s32 $0x2000  }
0x3e: {  	[tilespmem:s3], [sflag:$0x1] =	stream.indirect.gather [hbm4b:s19+s25], $0x1, s25, s25, $0xb8;
	[tilespmem:$0x2600] =	vst v63  }
0x3f: {  	s30 =	simm.s32 $0x2200  }
0x40: {  	[tilespmem:s30], [sflag:$0x1] =	stream.indirect.gather [hbm4b:s20+s25], $0x1, s25, s25, $0xb8;
	[tilespmem:$0x2600] =	vst v63  }
0x41: {  	_ = 	snop  }
0x42: {  	[tilespmem:s0], [sflag:$0x1] =	stream.indirect.gather [hbm4b:s4+s31], $0x1, s2, s31, $0xb8;
	[tilespmem:$0x2600] =	vst v63  }
0x43: {  	s3 =	simm.s32 $0x2480  }
0x44: {  	[tilespmem:s3], [sflag:$0x1] =	stream.indirect.gather [hbm4b:s4+s31], $0x1, s31, s31, $0xb8;
	[tilespmem:$0x2600] =	vst v63  }
0x45: {  	s30 =	simm.s32 $0x100;
	s3 =	simm.s32 $0x2500  }
0x46: {  	[tilespmem:s3], [sflag:$0x1] =	stream.indirect.gather [hbm4b:s4+s31], $0x1, s30, s31, $0xb8;
	[tilespmem:$0x2600] =	vst v63  }
0x47: {  	s3 =	simm.s32 $0x180;
	s30 =	simm.s32 $0x2580  }
0x48: {  	[tilespmem:s30], [sflag:$0x1] =	stream.indirect.gather [hbm4b:s4+s31], $0x1, s3, s31, $0xb8;
	[tilespmem:$0x2600] =	vst v63  }
0x49: {  	_ =	swait.ge [sflag:s28], $0x200  }
0x4a: {  	[sflag:s28] =	ssyncset.done $0x0  }
0x4b: {  	[sflag:s28] =	ssyncadd.s32 $0xFFFFFE00  }
0x4c: {  	_ =	swait.ge [sflag:s28], $0x200  }
0x4d: {  	[sflag:s28] =	ssyncset.done $0x0  }
0x4e: {  	[sflag:s28] =	ssyncadd.s32 $0xFFFFFE00  }
0x4f: {  	_ =	swait.ge [sflag:s28], $0x200  }
0x50: {  	[sflag:s28] =	ssyncset.done $0x0  }
0x51: {  	[sflag:s28] =	ssyncadd.s32 $0xFFFFFE00  }
0x52: {  	_ =	swait.ge [sflag:s28], $0x200  }
0x53: {  	[sflag:s28] =	ssyncset.done $0x0  }
0x54: {  	[sflag:s28] =	ssyncadd.s32 $0xFFFFFE00  }
0x55: {  	_ =	swait.ge [sflag:s28], $0x200  }
0x56: {  	[sflag:s28] =	ssyncset.done $0x0  }
0x57: {  	[sflag:s28] =	ssyncadd.s32 $0xFFFFFE00  }
0x58: {  	_ =	swait.ge [sflag:s28], $0x200  }
0x59: {  	[sflag:s28] =	ssyncset.done $0x0  }
0x5a: {  	[sflag:s28] =	ssyncadd.s32 $0xFFFFFE00  }
0x5b: {  	_ =	swait.ge [sflag:s28], $0x200  }
0x5c: {  	[sflag:s28] =	ssyncset.done $0x0  }
0x5d: {  	[sflag:s28] =	ssyncadd.s32 $0xFFFFFE00  }
0x5e: {  	_ =	swait.ge [sflag:s28], $0x200  }
0x5f: {  	[sflag:s28] =	ssyncset.done $0x0  }
0x60: {  	[sflag:s28] =	ssyncadd.s32 $0xFFFFFE00  }
0x61: {  	_ =	swait.ge [sflag:s28], $0x200  }
0x62: {  	[sflag:s28] =	ssyncset.done $0x0  }
0x63: {  	[sflag:s28] =	ssyncadd.s32 $0xFFFFFE00  }
0x64: {  	_ =	swait.ge [sflag:s28], $0x200  }
0x65: {  	[sflag:s28] =	ssyncset.done $0x0  }
0x66: {  	[sflag:s28] =	ssyncadd.s32 $0xFFFFFE00  }
0x67: {  	_ =	swait.ge [sflag:s28], $0x200  }
0x68: {  	[sflag:s28] =	ssyncset.done $0x0  }
0x69: {  	[sflag:s28] =	ssyncadd.s32 $0xFFFFFE00  }
0x6a: {  	_ =	swait.ge [sflag:s28], $0x200  }
0x6b: {  	[sflag:s28] =	ssyncset.done $0x0  }
0x6c: {  	[sflag:s28] =	ssyncadd.s32 $0xFFFFFE00  }
0x6d: {  	_ =	swait.ge [sflag:s28], $0x200  }
0x6e: {  	[sflag:s28] =	ssyncset.done $0x0  }
0x6f: {  	[sflag:s28] =	ssyncadd.s32 $0xFFFFFE00  }
0x70: {  	_ =	swait.ge [sflag:s28], $0x200  }
0x71: {  	[sflag:s28] =	ssyncset.done $0x0  }
0x72: {  	[sflag:s28] =	ssyncadd.s32 $0xFFFFFE00  }
0x73: {  	_ =	swait.ge [sflag:s28], $0x200  }
0x74: {  	[sflag:s28] =	ssyncset.done $0x0  }
0x75: {  	[sflag:s28] =	ssyncadd.s32 $0xFFFFFE00  }
0x76: {  	_ =	swait.ge [sflag:s28], $0x200  }
0x77: {  	[sflag:s28] =	ssyncset.done $0x0  }
0x78: {  	[sflag:s28] =	ssyncadd.s32 $0xFFFFFE00  }
0x79: {  	_ =	swait.ge [sflag:s28], $0x80  }
0x7a: {  	[sflag:s28] =	ssyncset.done $0x0  }
0x7b: {  	[sflag:s28] =	ssyncadd.s32 $0xFFFFFF80  }
0x7c: {  	_ =	swait.ge [sflag:s28], $0x80  }
0x7d: {  	[sflag:s28] =	ssyncset.done $0x0  }
0x7e: {  	[sflag:s28] =	ssyncadd.s32 $0xFFFFFF80  }
0x7f: {  	_ =	swait.ge [sflag:s28], $0x80  }
0x80: {  	[sflag:s28] =	ssyncset.done $0x0  }
0x81: {  	[sflag:s28] =	ssyncadd.s32 $0xFFFFFF80  }
0x82: {  	_ =	swait.ge [sflag:s28], $0x80  }
0x83: {  	[sflag:s28] =	ssyncset.done $0x0  }
0x84: {  	[sflag:s28] =	ssyncadd.s32 $0xFFFFFF80  }
0x85: {  	[hbm4b:s21+s2] =	stream.linear.scatter [tilespmem:s26], [sflag:$0x2], $0x2000, $0x38;
	[tilespmem:$0x2600] =	vst v63  }
0x86: {  	s29 =	sadd.s32 $0x1, s29;
	_ =	swait.ge [sflag:s24], $0x2000  }
0x87: {  	p0 =	sne.s32 s29, s23;
	[sflag:s24] =	ssyncset.done $0x0  }
.Ltmp1:
0x88: {  	[sflag:s24] =	ssyncadd.s32 $0xFFFFE000;
	(pc) =	sbr.rel @p0 .LBB2_1-.Ltmp1, $4  }
0x89: {  	[hbm4b:s22+s2] =	stream.linear.scatter [tilespmem:s0], [sflag:$0x2], $0x200, $0x38;
	[tilespmem:$0x2600] =	vst v63  }
0x8a: {  	_ =	swait.ge [sflag:s24], $0x200  }
0x8b: {  	[sflag:s24] =	ssyncset.done $0x0  }
0x8c: {  	[sflag:s24] =	ssyncadd.s32 $0xFFFFFE00  }
0x8d: {  	_ =	sfence.sel $0x180000  }
0x8e: {  	[bflag:$0x0] =	sbarrier.arrive $0xFFFF  }
0x8f: {  	_ =	strace $0x90000047  }
0x90: {  	s0 =	stileid.u32;
	[bflag:$0x2] =	sbarrier.arrive $0xFFFF  }
0x91: {  	p0 =	sne.s32 s0, $0x0;
	s0 =	rddreg [dreg:$0x2]  }
0x92: {  	s0 =	sadd.s32 @!p0 $0x100000, s0  }
0x93: {  	[sflag:s0] =	ssyncadd.tile.s32 @!p0 $0x1;
	_ =	shalt  }
.Lfunc_end2:
_tile_overlayer_lowered:
.L_overlay_start_2:
0x94: {  	(tag) =	ssettag $0x2  }
0x95: {  	s0 =	rddreg [dreg:$0x0];
	s2 =	stileid.u32  }
0x96: {  	s1 =	rddreg [dreg:$0x1];
	p0 =	sne.s32 s2, $0x0  }
0x97: {  	s3 =	rddreg [dreg:$0x2];
	[bflag:$0x3] =	sbarrier.arrive $0xFFFF;
	s2 =	simm.s32 @!p0 $0x1C02  }
0x98: {  	[timem:s3], [sflag:s2] =	dma.local @!p0 [hbm:s0], s1  }
0x99: {  	s0 =	simm.s32 @!p0 $0x2  }
0x9a: {  	_ =	swait.ge @!p0 [sflag:s0], s1  }
0x9b: {  	s1 =	ssub.s32 @!p0 $0x0, s1;
	[sflag:s0] =	ssyncset.done @!p0 $0x0  }
0x9c: {  	[sflag:s0] =	ssyncadd.s32 @!p0 s1  }
0x9d: {  	[bflag:$0x3] =	sbarrier.arrive $0xFFFF  }
0x9e: {  	_ =	shalt  }

// kernel: kernel.8.cloned.1.call-start
scs
__scs_entry_jumppad:
0x0: {  	(pc) =	sbr.rel $0x88, $3  }
0x1: {  	(tag) =	ssettag $0x0;
	lr =	simm.s32 $0x1  }
0x2: {  	[smem:$0x3F9C] =	sst lr;
	_ =	strace $0xD0000000  }
0x3: {  	_ = 	snop  }
0x4: {  	_ = 	snop  }
0x5: {  	_ = 	snop  }
0x6: {  	_ = 	snop  }
0x7: {  	_ = 	snop  }
__scs_overlays_trampoline_lowered:
0x8: {  	[smem:$0x3FAB] =	sst s0  }
0x9: {  	[smem:$0x3FAC] =	sst s1  }
0xa: {  	[smem:$0x3FAD] =	sst s2  }
0xb: {  	[smem:$0x3FAE] =	sst s3  }
0xc: {  	[smem:$0x3FAF] =	sst s4  }
0xd: {  	[smem:$0x3FB0] =	sst s5  }
0xe: {  	[smem:$0x3FB1] =	sst s6  }
0xf: {  	[smem:$0x3FB2] =	sst s7  }
0x10: {  	[smem:$0x3FB3] =	sst s8  }
0x11: {  	[smem:$0x3FB4] =	sst s9;
	s0 =	simm.s32 @!p0 $0x0  }
0x12: {  	s1 =	sld [smem:$0x3F9A];
	s0 =	simm.s32 @p0 $0x1  }
0x13: {  	[smem:$0x3FB5] =	sst s0;
	s0 =	simm.s32 @!p1 $0x0  }
0x14: {  	s2 =	sld [smem:$0x3F99];
	s0 =	simm.s32 @p1 $0x1  }
0x15: {  	[smem:$0x3FB6] =	sst s0;
	s0 =	simm.s32 @!p2 $0x0  }
0x16: {  	s3 =	sld [smem:$0x3FDB];
	s0 =	simm.s32 @p2 $0x1  }
0x17: {  	s4 =	simm.s32 $0x1BF5;
	[smem:$0x3FB8] =	sst s0  }
0x18: {  	s0 =	sld [smem:$0x3F9B];
	_ =	swait.ge [sflag:s4], $0x0  }
0x19: {  	s7 =	sld [smem:$0x3F9C]  }
0x1a: {  	s8 =	sadd.s32 $0xFFFFE003, lr  }
0x1b: {  	s9 =	sadd.s32 $0xFFFFFEF7, lr;
	s5 =	simm.s32 $0xFFFFFFFF;
	p2 =	slt.u32 s8, $0xFFFFF086  }
0x1c: {  	p1 =	slt.u32 s9, $0xF7A;
	s5 =	simm.s32 @!p2 $0x0  }
0x1d: {  	s5 =	simm.s32 @p1 $0x1;
	p0 =	seq.s32 s7, s2  }
0x1e: {  	s7 =	smul.u32 @!p0 $0xF7A, s2;
	p2 =	seq.s32 @!p0 s5, $0x0  }
0x1f: {  	s9 =	smul.u32 $0xF7A, s1;
	s8 =	simm.s32 @!p0 $0x1BF5;
	p2 =	por !p2, p0  }
0x20: {  	[sflag:s8] =	ssyncset.s32 @!p0 $0xFFFFF086;
	s6 =	sadd.s32 @!p0 s3, s7;
	s7 =	simm.s32 @!p0 $0x108  }
0x21: {  	s3 =	sadd.s32 s3, s9;
	s6 =	sadd.s32 @!p0 $0x88, s6;
	s7 =	simm.s32 @p2 $0x1082  }
0x22: {  	[simem:s7], [sflag:s8] =	dma.local @!p0 [hbm:s6], $0xF7A  }
0x23: {  	s9 =	sor.u32 $0xD0000000, s2;
	s6 =	simm.s32 $0x108;
	_ =	swait.ge @!p0 [sflag:s8], $0x0  }
0x24: {  	s3 =	sadd.s32 $0x88, s3;
	s6 =	simm.s32 @!p1 $0x1082;
	[sflag:s4] =	ssyncset.s32 $0xFFFFF086  }
0x25: {  	[simem:s6], [sflag:s4] =	dma.local [hbm:s3], $0xF7A  }
0x26: {  	[smem:$0x3F9C] =	sst s1;
	(tag) =	ssettag s2;
	_ =	strace s9  }
0x27: {  	s1 =	sld [smem:$0x3FAC]  }
0x28: {  	s2 =	sld [smem:$0x3FAD]  }
0x29: {  	s4 =	sld [smem:$0x3FAF]  }
0x2a: {  	p0 =	seq.s32 s5, $0x0;
	s5 =	sld [smem:$0x3FB0]  }
0x2b: {  	s6 =	sld [smem:$0x3FB1]  }
0x2c: {  	s7 =	sld [smem:$0x3FB2]  }
0x2d: {  	s3 =	simm.s32 $0x108;
	s8 =	sld [smem:$0x3FB3]  }
0x2e: {  	s3 =	simm.s32 @!p0 $0x1082;
	s9 =	sld [smem:$0x3FB4]  }
0x2f: {  	lr =	sadd.s32 s0, s3;
	s0 =	sld [smem:$0x3FAB]  }
0x30: {  	s3 =	sld [smem:$0x3FAE]  }
0x31: {  	[smem:$0x3FB7] =	sst s10  }
0x32: {  	s10 =	sld [smem:$0x3FB5];
	_ =	sdelay $0x3  }
0x33: {  	p0 =	seq.s32 s10, $0x1;
	s10 =	sld [smem:$0x3FB7];
	_ =	sdelay $0x3  }
0x34: {  	[smem:$0x3FB7] =	sst s10  }
0x35: {  	s10 =	sld [smem:$0x3FB6];
	_ =	sdelay $0x3  }
0x36: {  	p1 =	seq.s32 s10, $0x1;
	s10 =	sld [smem:$0x3FB7];
	_ =	sdelay $0x3  }
0x37: {  	[smem:$0x3FB7] =	sst s10  }
0x38: {  	s10 =	sld [smem:$0x3FB8]  }
0x39: {  	_ = 	snop;
	(pc) =	sbr.ind lr, $3  }
0x3a: {  	_ = 	snop  }
0x3b: {  	_ = 	snop  }
0x3c: {  	p2 =	seq.s32 s10, $0x1;
	s10 =	sld [smem:$0x3FB7]  }
0x3d: {  	_ =	shalt  }
0x3e: {  	_ =	shalt  }
0x3f: {  	_ =	shalt  }
0x40: {  	_ =	shalt  }
0x41: {  	_ =	shalt  }
0x42: {  	_ =	shalt  }
0x43: {  	_ =	shalt  }
0x44: {  	_ =	shalt  }
0x45: {  	_ =	shalt  }
0x46: {  	_ =	shalt  }
0x47: {  	_ =	shalt  }
0x48: {  	_ =	shalt  }
0x49: {  	_ =	shalt  }
0x4a: {  	_ =	shalt  }
0x4b: {  	_ =	shalt  }
0x4c: {  	_ =	shalt  }
0x4d: {  	_ =	shalt  }
0x4e: {  	_ =	shalt  }
0x4f: {  	_ =	shalt  }
0x50: {  	_ =	shalt  }
0x51: {  	_ =	shalt  }
0x52: {  	_ =	shalt  }
0x53: {  	_ =	shalt  }
0x54: {  	_ =	shalt  }
0x55: {  	_ =	shalt  }
0x56: {  	_ =	shalt  }
0x57: {  	_ =	shalt  }
0x58: {  	_ =	shalt  }
0x59: {  	_ =	shalt  }
0x5a: {  	_ =	shalt  }
0x5b: {  	_ =	shalt  }
0x5c: {  	_ =	shalt  }
0x5d: {  	_ =	shalt  }
0x5e: {  	_ =	shalt  }
0x5f: {  	_ =	shalt  }
0x60: {  	_ =	shalt  }
0x61: {  	_ =	shalt  }
0x62: {  	_ =	shalt  }
0x63: {  	_ =	shalt  }
0x64: {  	_ =	shalt  }
0x65: {  	_ =	shalt  }
0x66: {  	_ =	shalt  }
0x67: {  	_ =	shalt  }
0x68: {  	_ =	shalt  }
0x69: {  	_ =	shalt  }
0x6a: {  	_ =	shalt  }
0x6b: {  	_ =	shalt  }
0x6c: {  	_ =	shalt  }
0x6d: {  	_ =	shalt  }
0x6e: {  	_ =	shalt  }
0x6f: {  	_ =	shalt  }
0x70: {  	_ =	shalt  }
0x71: {  	_ =	shalt  }
0x72: {  	_ =	shalt  }
0x73: {  	_ =	shalt  }
0x74: {  	_ =	shalt  }
0x75: {  	_ =	shalt  }
0x76: {  	_ =	shalt  }
0x77: {  	_ =	shalt  }
0x78: {  	_ =	shalt  }
0x79: {  	_ =	shalt  }
0x7a: {  	_ =	shalt  }
0x7b: {  	_ =	shalt  }
0x7c: {  	_ =	shalt  }
0x7d: {  	_ =	shalt  }
0x7e: {  	_ =	shalt  }
0x7f: {  	_ =	shalt  }
0x80: {  	_ =	shalt  }
0x81: {  	_ =	shalt  }
0x82: {  	_ =	shalt  }
0x83: {  	_ =	shalt  }
0x84: {  	_ =	shalt  }
0x85: {  	_ =	shalt  }
0x86: {  	_ =	shalt  }
0x87: {  	_ =	shalt  }
.Lfunc_end0:
.L_simem_size_0:
called_computation.1_lowered:
.L_overlay_start_0:
0x88: {  	s2 =	sld [smem:$0x3FD9]  }
0x89: {  	s3 =	sld [smem:$0x3FFE];
	_ =	sdelay $0x1  }
0x8a: {  	s1 =	srdreg.scid  }
0x8b: {  	s0 =	sand.u32 $0x1, s1  }
0x8c: {  	s17 =	sshll.u32 s0, $0xA;
	s2 =	sadd.s32 s3, s2  }
0x8d: {  	s2 =	sadd.s32 s2, s17  }
0x8e: {  	[smem:$0x3FC3] =	sst s2  }
0x8f: {  	_ = 	snop  }
0x90: {  	s2 =	sld [smem:$0x3FD0];
	(tm) =	ssettm $0x1  }
0x91: {  	s18 =	sld [smem:$0x3FFB];
	_ =	sdelay $0x3  }
0x92: {  	_ =	strace s18  }
0x93: {  	s3 =	sld [smem:$0x3FFC];
	_ =	sdelay $0x3  }
0x94: {  	_ =	strace s3  }
0x95: {  	s3 =	sld [smem:$0x3FFD];
	_ =	sdelay $0x3  }
0x96: {  	_ =	strace s3  }
0x97: {  	_ =	strace $0x8FFFFFFF  }
0x98: {  	s19 =	sld [smem:$0x3FDB];
	_ =	sdelay $0x1  }
0x99: {  	s4 =	simm.s32 $_scs_section_size  }
0x9a: {  	s5 =	simm.s32 $_size__tile_overlayer_lowered;
	s6 =	simm.s32 $_tile_overlayer_lowered  }
0x9b: {  	s22 =	simm.s32 $0x1BFF;
	s21 =	sshll.u32 s6, $0x1;
	s3 =	sadd.s32 s4, s19  }
0x9c: {  	s7 =	simm.s32 $0x0;
	s20 =	sshll.u32 s5, $0x1;
	s5 =	sadd.s32 s21, s3  }
0x9d: {  	[timem:s7], [sflag:s22] =	dma.local [hbm:s5], s20  }
0x9e: {  	_ =	swait.ge [sflag:s22], s20  }
0x9f: {  	s4 =	ssub.s32 $0x0, s20;
	[sflag:s22] =	ssyncset.done $0x0  }
0xa0: {  	[sflag:s22] =	ssyncadd.s32 s4;
	_ =	sdelay $0x1  }
0xa1: {  	s23 =	simm.s32 $0x1B8B  }
0xa2: {  	_ =	swait.ge [sflag:s23], $0x1  }
0xa3: {  	[sflag:s23] =	ssyncset.done $0x0  }
0xa4: {  	s25 =	simm.s32 $0x1B8E;
	s24 =	sld [smem:$0x3FFE];
	[sflag:s23] =	ssyncadd.s32 $0xFFFFFFFF  }
0xa5: {  	s26 =	simm.s32 $execute0_lowered;
	[smem:$0x3FD2] =	sst s25  }
0xa6: {  	s5 =	sshll.u32 s26, $0x1;
	_ =	strace $0x80000049;
	[dreg:$0x1] =	wrdreg $0xFFFFFFFF  }
0xa7: {  	s28 =	simm.s32 $_size_execute0_lowered;
	s3 =	sadd.s32 s3, s5;
	[dreg:$0x0] =	wrdreg $0x0  }
0xa8: {  	s5 =	sshll.u32 s28, $0x1;
	[dreg:$0x2] =	wrdreg s3  }
0xa9: {  	[dreg:$0x3] =	wrdreg s5  }
0xaa: {  	[dreg:$0x4] =	wrdreg $0xC0  }
0xab: {  	_ =	task [dreg:s7], $0x5FFFF  }
0xac: {  	[dreg:$0x1] =	wrdreg $0xFFFFFFFF  }
0xad: {  	[dreg:$0x0] =	wrdreg $0x60  }
0xae: {  	[dreg:$0x2] =	wrdreg s24  }
0xaf: {  	[dreg:$0x3] =	wrdreg s2  }
0xb0: {  	[dreg:$0x4] =	wrdreg $0x9  }
0xb1: {  	_ =	task.clear_ibuf [dreg:s7], $0x5FFFF;
	_ =	strace $0x90000049  }
0xb2: {  	s29 =	simm.s32 $0x9;
	_ =	strace $0x8000004B  }
0xb3: {  	_ =	swait.ge [sflag:s29], $0x1  }
0xb4: {  	[sflag:s29] =	ssyncadd.s32 $0xFFFFFFFF  }
0xb5: {  	_ =	strace $0x9000004B  }
0xb6: {  	_ =	sfence  }
0xb7: {  	s30 =	sld [smem:$0x0];
	_ =	sdelay $0x2  }
0xb8: {  	s31 =	sshll.u32 s1, $0xD;
	s1 =	sshrl.u32 s1, $0x2  }
0xb9: {  	s3 =	sand.u32 $0x4000, s31;
	s1 =	sadd.s32 s1, s30  }
0xba: {  	s0 =	sor.u32 s3, s0;
	s1 =	sshll.u32 s1, $0x11  }
0xbb: {  	s0 =	sor.u32 s1, s0  }
0xbc: {  	s0 =	sadd.s32 $0x8F2B, s0  }
0xbd: {  	[sflag:s0] =	ssyncadd.remote.s32 $0x1  }
0xbe: {  	_ =	sfence.sel $0xFFFF  }
0xbf: {  	[dreg:$0x0] =	wrdreg $0xFFFFFFFF;
	(pc) =	sbr.abs _section_cstart, $3  }
0xc0: {  	[dreg:$0x1] =	wrdreg $0xFFFFFFFF  }
0xc1: {  	_ =	task.clear_ibuf [dreg:s7], $0x2FFFF;
	_ =	strace $0x9FFFFFFF  }
0xc2: {  	(tm) =	ssettm $0x7FFFFFFF  }
0xc3: {  	_ =	shalt  }
tec
execute0_lowered:
.L_overlay_start_1:
0x0: {  	(tag) =	ssettag $0x1  }
0x1: {  	s0 =	rddreg [dreg:$0x0]  }
0x2: {  	s1 =	rddreg [dreg:$0x1]  }
0x3: {  	s3 =	srdreg.scid;
	s4 =	stileid.u32;
	s2 =	simm.s32 $0x0  }
0x4: {  	s28 =	simm.s32 $0x200;
	s30 =	simm.s32 $0x2;
	s31 =	simm.s32 $0x1  }
0x5: {  	s29 =	simm.s32 $0x0;
	s3 =	sand.u32 $0x1, s3;
	s4 =	sshll.u32 s4, $0x1  }
0x6: {  	[smem:$0x7FF] =	sst s2;
	s24 =	sadd.s32 $0x3E000, s0;
	s8 =	sadd.s32 $0x3E020, s0  }
0x7: {  	s9 =	sadd.s32 $0x3E030, s0;
	s10 =	sadd.s32 $0x3E040, s0;
	s11 =	sadd.s32 $0x3E050, s0  }
0x8: {  	s12 =	sadd.s32 $0x3E060, s0;
	s13 =	sadd.s32 $0x3E070, s0;
	s14 =	sadd.s32 $0x56700, s0  }
0x9: {  	s15 =	sadd.s32 $0x56710, s0;
	s16 =	sadd.s32 $0x56720, s0;
	s17 =	sadd.s32 $0x56730, s0  }
0xa: {  	s18 =	sadd.s32 $0x56740, s0;
	s19 =	sadd.s32 $0x56750, s0;
	s20 =	sadd.s32 $0x56760, s0  }
0xb: {  	s21 =	sadd.s32 $0x56770, s0;
	s5 =	sor.u32 s3, s4;
	_ =	strace $0x8000004A  }
0xc: {  	[dreg:$0x3] =	wrdreg s24;
	s4 =	sadd.s32 $0x6EE00, s0;
	s3 =	ssub.s32 $0x2, s3  }
0xd: {  	s23 =	sshll.u32 s5, $0x6;
	s7 =	sshll.u32 s5, $0xA;
	s5 =	sshll.u32 s5, $0x1  }
0xe: {  	s25 =	sshrl.u32 s3, $0x1;
	s6 =	sadd.s32 s23, s0;
	s7 =	sadd.s32 s7, s0  }
0xf: {  	s22 =	sadd.s32 s5, s0;
	s3 =	ssub.s32 s3, s25;
	s23 =	sadd.s32 s1, s23  }
0x10: {  	s25 =	simm.s32 $0x3;
	s1 =	simm.s32 $0x80;
	s26 =	sadd.s32 $0x1000, s6  }
0x11: {  	s6 =	sadd.s32 $0x35800, s7;
	s7 =	sadd.s32 $0x3E010, s0;
	s22 =	sadd.s32 $0x1800, s22  }
0x12: {  	s24 =	smax.u32 s3, $0x1;
	[dreg:$0x4] =	wrdreg s26;
	s26 =	simm.s32 $0x4400  }
.LBB2_1:
0x13: {  	s0 =	rddreg [dreg:$0x4]  }
0x14: {  	[tilespmem:s2], [sflag:$0x3] =	stream.linear.gather [hbm4b:s0+s2], $0x200, $0x38;
	[tilespmem:$0x4610] =	vst v63  }
0x15: {  	_ =	swait.ge [sflag:s25], $0x200  }
0x16: {  	[sflag:s25] =	ssyncset.done $0x0  }
0x17: {  	s5 =	simm.s32 $0x2400;
	s0 =	simm.s32 $0x0;
	[sflag:s25] =	ssyncadd.s32 $0xFFFFFE00  }
0x18: {  	[tilespmem:s5], [sflag:$0x2] =	stream.linear.gather [hbm4b:s6+s2], $0x2000, $0x38;
	[tilespmem:$0x4610] =	vst v63  }
0x19: {  	s3 =	simm.s32 $0x40;
	v0 =	vld [tilespmem:s0+$0x0]  }
.LBB2_2:
0x1a: {  	_ =	sdelay $0x1  }
0x1b: {  	p0 =	sne.s32 s3, $0x7C0  }
.Ltmp0:
0x1c: {  	_ = 	snop;
	(pc) =	sbr.rel @p0 .LBB2_2-.Ltmp0, $4  }
0x1d: {  	v1 =	vshll.u32 v0, $0x3  }
0x1e: {  	v2 =	vand.u32 $0x7F, v0;
	v1 =	vand.u32 $0xFFFFFC00, v1  }
0x1f: {  	s5 =	sshra.s32 s3, $0x2;
	v1 =	vor.u32 v2, v1  }
0x20: {  	s3 =	sadd.s32 $0x40, s3;
	v0 =	vld [tilespmem:s5+$0x0];
	[tilespmem:s0+$0x200] =	vst v1;
	s0 =	smov.u32 s5  }
0x21: {  	_ =	sdelay $0x3  }
0x22: {  	v1 =	vshll.u32 v0, $0x3  }
0x23: {  	v0 =	vand.u32 $0x7F, v0;
	v1 =	vand.u32 $0xFFFFFC00, v1  }
0x24: {  	v0 =	vor.u32 v0, v1  }
0x25: {  	s5 =	rddreg [dreg:$0x3];
	s3 =	simm.s32 $0x400;
	[tilespmem:s0+$0x200] =	vst v0  }
0x26: {  	[tilespmem:s3], [sflag:$0x1] =	stream.indirect.gather [hbm4b:s5+s28], $0x1, s28, s28, $0xb8;
	[tilespmem:$0x4610] =	vst v63  }
0x27: {  	s5 =	simm.s32 $0x600  }
0x28: {  	[tilespmem:s5], [sflag:$0x1] =	stream.indirect.gather [hbm4b:s7+s28], $0x1, s28, s28, $0xb8;
	[tilespmem:$0x4610] =	vst v63  }
0x29: {  	s3 =	simm.s32 $0x800  }
0x2a: {  	[tilespmem:s3], [sflag:$0x1] =	stream.indirect.gather [hbm4b:s8+s28], $0x1, s28, s28, $0xb8;
	[tilespmem:$0x4610] =	vst v63  }
0x2b: {  	s5 =	simm.s32 $0xA00  }
0x2c: {  	[tilespmem:s5], [sflag:$0x1] =	stream.indirect.gather [hbm4b:s9+s28], $0x1, s28, s28, $0xb8;
	[tilespmem:$0x4610] =	vst v63  }
0x2d: {  	s3 =	simm.s32 $0xC00  }
0x2e: {  	[tilespmem:s3], [sflag:$0x1] =	stream.indirect.gather [hbm4b:s10+s28], $0x1, s28, s28, $0xb8;
	[tilespmem:$0x4610] =	vst v63  }
0x2f: {  	s5 =	simm.s32 $0xE00  }
0x30: {  	[tilespmem:s5], [sflag:$0x1] =	stream.indirect.gather [hbm4b:s11+s28], $0x1, s28, s28, $0xb8;
	[tilespmem:$0x4610] =	vst v63  }
0x31: {  	s3 =	simm.s32 $0x1000  }
0x32: {  	[tilespmem:s3], [sflag:$0x1] =	stream.indirect.gather [hbm4b:s12+s28], $0x1, s28, s28, $0xb8;
	[tilespmem:$0x4610] =	vst v63  }
0x33: {  	s5 =	simm.s32 $0x1200  }
0x34: {  	[tilespmem:s5], [sflag:$0x1] =	stream.indirect.gather [hbm4b:s13+s28], $0x1, s28, s28, $0xb8;
	[tilespmem:$0x4610] =	vst v63  }
0x35: {  	s3 =	simm.s32 $0x1400  }
0x36: {  	[tilespmem:s3], [sflag:$0x1] =	stream.indirect.gather [hbm4b:s14+s28], $0x1, s28, s28, $0xb8;
	[tilespmem:$0x4610] =	vst v63  }
0x37: {  	s5 =	simm.s32 $0x1600  }
0x38: {  	[tilespmem:s5], [sflag:$0x1] =	stream.indirect.gather [hbm4b:s15+s28], $0x1, s28, s28, $0xb8;
	[tilespmem:$0x4610] =	vst v63  }
0x39: {  	s3 =	simm.s32 $0x1800  }
0x3a: {  	[tilespmem:s3], [sflag:$0x1] =	stream.indirect.gather [hbm4b:s16+s28], $0x1, s28, s28, $0xb8;
	[tilespmem:$0x4610] =	vst v63  }
0x3b: {  	s5 =	simm.s32 $0x1A00  }
0x3c: {  	[tilespmem:s5], [sflag:$0x1] =	stream.indirect.gather [hbm4b:s17+s28], $0x1, s28, s28, $0xb8;
	[tilespmem:$0x4610] =	vst v63  }
0x3d: {  	s3 =	simm.s32 $0x1C00  }
0x3e: {  	[tilespmem:s3], [sflag:$0x1] =	stream.indirect.gather [hbm4b:s18+s28], $0x1, s28, s28, $0xb8;
	[tilespmem:$0x4610] =	vst v63  }
0x3f: {  	s5 =	simm.s32 $0x1E00  }
0x40: {  	[tilespmem:s5], [sflag:$0x1] =	stream.indirect.gather [hbm4b:s19+s28], $0x1, s28, s28, $0xb8;
	[tilespmem:$0x4610] =	vst v63  }
0x41: {  	s3 =	simm.s32 $0x2000  }
0x42: {  	[tilespmem:s3], [sflag:$0x1] =	stream.indirect.gather [hbm4b:s20+s28], $0x1, s28, s28, $0xb8;
	[tilespmem:$0x4610] =	vst v63  }
0x43: {  	s5 =	simm.s32 $0x2200  }
0x44: {  	[tilespmem:s5], [sflag:$0x1] =	stream.indirect.gather [hbm4b:s21+s28], $0x1, s28, s28, $0xb8;
	[tilespmem:$0x4610] =	vst v63  }
0x45: {  	s3 =	simm.s32 $0x0  }
0x46: {  	[tilespmem:s26], [sflag:$0x2] =	stream.indirect.gather [hbm4b:s4+s1], $0x1, s3, s1, $0xb8;
	[tilespmem:$0x4610] =	vst v63  }
0x47: {  	s5 =	simm.s32 $0x4480  }
0x48: {  	[tilespmem:s5], [sflag:$0x2] =	stream.indirect.gather [hbm4b:s4+s1], $0x1, s1, s1, $0xb8;
	[tilespmem:$0x4610] =	vst v63  }
0x49: {  	s3 =	simm.s32 $0x100;
	s5 =	simm.s32 $0x4500  }
0x4a: {  	[tilespmem:s5], [sflag:$0x2] =	stream.indirect.gather [hbm4b:s4+s1], $0x1, s3, s1, $0xb8;
	[tilespmem:$0x4610] =	vst v63  }
0x4b: {  	s3 =	simm.s32 $0x180;
	s5 =	simm.s32 $0x4580  }
0x4c: {  	[tilespmem:s5], [sflag:$0x2] =	stream.indirect.gather [hbm4b:s4+s1], $0x1, s3, s1, $0xb8;
	[tilespmem:$0x4610] =	vst v63  }
0x4d: {  	_ =	swait.ge [sflag:s30], $0x2000  }
0x4e: {  	[sflag:s30] =	ssyncset.done $0x0  }
0x4f: {  	[sflag:s30] =	ssyncadd.s32 $0xFFFFE000  }
0x50: {  	_ =	swait.ge [sflag:s31], $0x200  }
0x51: {  	[sflag:s31] =	ssyncset.done $0x0  }
0x52: {  	s5 =	simm.s32 $0x0;
	[sflag:s31] =	ssyncadd.s32 $0xFFFFFE00  }
0x53: {  	v1 =	vld [tilespmem:s5+$0x2400]  }
0x54: {  	v0 =	vimm.f32 $0.0e+00;
	s0 =	simm.s32 $0x40;
	v2 =	vld [tilespmem:s5+$0x400]  }
.LBB2_4:
0x55: {  	_ = 	snop  }
0x56: {  	p0 =	sne.s32 s0, $0x7C0  }
.Ltmp1:
0x57: {  	_ = 	snop;
	(pc) =	sbr.rel @p0 .LBB2_4-.Ltmp1, $4  }
0x58: {  	_ = 	snop  }
0x59: {  	s3 =	sshra.s32 s0, $0x2;
	v3 =	vmul.f32 v2, v1  }
0x5a: {  	v1 =	vld [tilespmem:s3+$0x2400]  }
0x5b: {  	s0 =	sadd.s32 $0x40, s0;
	v2 =	vld [tilespmem:s3+$0x400];
	v0 =	vadd.f32 v3, v0  }
0x5c: {  	_ =	sdelay $0x1  }
0x5d: {  	_ =	swait.ge [sflag:s31], $0x200  }
0x5e: {  	[sflag:s31] =	ssyncset.done $0x0  }
0x5f: {  	s3 =	simm.s32 $0x0;
	[sflag:s31] =	ssyncadd.s32 $0xFFFFFE00;
	v2 =	vmul.f32 v2, v1  }
0x60: {  	v1 =	vld [tilespmem:s3+$0x2600]  }
0x61: {  	s0 =	simm.s32 $0x40;
	v0 =	vadd.f32 v2, v0;
	v2 =	vld [tilespmem:s3+$0x600]  }
.LBB2_6:
0x62: {  	_ = 	snop  }
0x63: {  	p0 =	sne.s32 s0, $0x7C0  }
.Ltmp2:
0x64: {  	_ = 	snop;
	(pc) =	sbr.rel @p0 .LBB2_6-.Ltmp2, $4  }
0x65: {  	_ = 	snop  }
0x66: {  	s3 =	sshra.s32 s0, $0x2;
	v3 =	vmul.f32 v2, v1  }
0x67: {  	v1 =	vld [tilespmem:s3+$0x2600]  }
0x68: {  	s0 =	sadd.s32 $0x40, s0;
	v2 =	vld [tilespmem:s3+$0x600];
	v0 =	vadd.f32 v3, v0  }
0x69: {  	_ =	sdelay $0x1  }
0x6a: {  	_ =	swait.ge [sflag:s31], $0x200  }
0x6b: {  	[sflag:s31] =	ssyncset.done $0x0  }
0x6c: {  	s3 =	simm.s32 $0x0;
	[sflag:s31] =	ssyncadd.s32 $0xFFFFFE00;
	v2 =	vmul.f32 v2, v1  }
0x6d: {  	v1 =	vld [tilespmem:s3+$0x2800]  }
0x6e: {  	s0 =	simm.s32 $0x40;
	v0 =	vadd.f32 v2, v0;
	v2 =	vld [tilespmem:s3+$0x800]  }
.LBB2_8:
0x6f: {  	_ = 	snop  }
0x70: {  	p0 =	sne.s32 s0, $0x7C0  }
.Ltmp3:
0x71: {  	_ = 	snop;
	(pc) =	sbr.rel @p0 .LBB2_8-.Ltmp3, $4  }
0x72: {  	_ = 	snop  }
0x73: {  	s3 =	sshra.s32 s0, $0x2;
	v3 =	vmul.f32 v2, v1  }
0x74: {  	v1 =	vld [tilespmem:s3+$0x2800]  }
0x75: {  	s0 =	sadd.s32 $0x40, s0;
	v2 =	vld [tilespmem:s3+$0x800];
	v0 =	vadd.f32 v3, v0  }
0x76: {  	_ =	sdelay $0x1  }
0x77: {  	_ =	swait.ge [sflag:s31], $0x200  }
0x78: {  	[sflag:s31] =	ssyncset.done $0x0  }
0x79: {  	s3 =	simm.s32 $0x0;
	[sflag:s31] =	ssyncadd.s32 $0xFFFFFE00;
	v2 =	vmul.f32 v2, v1  }
0x7a: {  	v1 =	vld [tilespmem:s3+$0x2A00]  }
0x7b: {  	s0 =	simm.s32 $0x40;
	v0 =	vadd.f32 v2, v0;
	v2 =	vld [tilespmem:s3+$0xA00]  }
.LBB2_10:
0x7c: {  	_ = 	snop  }
0x7d: {  	p0 =	sne.s32 s0, $0x7C0  }
.Ltmp4:
0x7e: {  	_ = 	snop;
	(pc) =	sbr.rel @p0 .LBB2_10-.Ltmp4, $4  }
0x7f: {  	_ = 	snop  }
0x80: {  	s3 =	sshra.s32 s0, $0x2;
	v3 =	vmul.f32 v2, v1  }
0x81: {  	v1 =	vld [tilespmem:s3+$0x2A00]  }
0x82: {  	s0 =	sadd.s32 $0x40, s0;
	v2 =	vld [tilespmem:s3+$0xA00];
	v0 =	vadd.f32 v3, v0  }
0x83: {  	_ =	sdelay $0x1  }
0x84: {  	_ =	swait.ge [sflag:s31], $0x200  }
0x85: {  	[sflag:s31] =	ssyncset.done $0x0  }
0x86: {  	s3 =	simm.s32 $0x0;
	[sflag:s31] =	ssyncadd.s32 $0xFFFFFE00;
	v2 =	vmul.f32 v2, v1  }
0x87: {  	v1 =	vld [tilespmem:s3+$0x2C00]  }
0x88: {  	s0 =	simm.s32 $0x40;
	v0 =	vadd.f32 v2, v0;
	v2 =	vld [tilespmem:s3+$0xC00]  }
.LBB2_12:
0x89: {  	_ = 	snop  }
0x8a: {  	p0 =	sne.s32 s0, $0x7C0  }
.Ltmp5:
0x8b: {  	_ = 	snop;
	(pc) =	sbr.rel @p0 .LBB2_12-.Ltmp5, $4  }
0x8c: {  	_ = 	snop  }
0x8d: {  	s3 =	sshra.s32 s0, $0x2;
	v3 =	vmul.f32 v2, v1  }
0x8e: {  	v1 =	vld [tilespmem:s3+$0x2C00]  }
0x8f: {  	s0 =	sadd.s32 $0x40, s0;
	v2 =	vld [tilespmem:s3+$0xC00];
	v0 =	vadd.f32 v3, v0  }
0x90: {  	_ =	sdelay $0x1  }
0x91: {  	_ =	swait.ge [sflag:s31], $0x200  }
0x92: {  	[sflag:s31] =	ssyncset.done $0x0  }
0x93: {  	s3 =	simm.s32 $0x0;
	[sflag:s31] =	ssyncadd.s32 $0xFFFFFE00;
	v2 =	vmul.f32 v2, v1  }
0x94: {  	v1 =	vld [tilespmem:s3+$0x2E00]  }
0x95: {  	s0 =	simm.s32 $0x40;
	v0 =	vadd.f32 v2, v0;
	v2 =	vld [tilespmem:s3+$0xE00]  }
.LBB2_14:
0x96: {  	_ = 	snop  }
0x97: {  	p0 =	sne.s32 s0, $0x7C0  }
.Ltmp6:
0x98: {  	_ = 	snop;
	(pc) =	sbr.rel @p0 .LBB2_14-.Ltmp6, $4  }
0x99: {  	_ = 	snop  }
0x9a: {  	s3 =	sshra.s32 s0, $0x2;
	v3 =	vmul.f32 v2, v1  }
0x9b: {  	v1 =	vld [tilespmem:s3+$0x2E00]  }
0x9c: {  	s0 =	sadd.s32 $0x40, s0;
	v2 =	vld [tilespmem:s3+$0xE00];
	v0 =	vadd.f32 v3, v0  }
0x9d: {  	_ =	sdelay $0x1  }
0x9e: {  	_ =	swait.ge [sflag:s31], $0x200  }
0x9f: {  	[sflag:s31] =	ssyncset.done $0x0  }
0xa0: {  	s3 =	simm.s32 $0x0;
	[sflag:s31] =	ssyncadd.s32 $0xFFFFFE00;
	v2 =	vmul.f32 v2, v1  }
0xa1: {  	v1 =	vld [tilespmem:s3+$0x3000]  }
0xa2: {  	s0 =	simm.s32 $0x40;
	v0 =	vadd.f32 v2, v0;
	v2 =	vld [tilespmem:s3+$0x1000]  }
.LBB2_16:
0xa3: {  	_ = 	snop  }
0xa4: {  	p0 =	sne.s32 s0, $0x7C0  }
.Ltmp7:
0xa5: {  	_ = 	snop;
	(pc) =	sbr.rel @p0 .LBB2_16-.Ltmp7, $4  }
0xa6: {  	_ = 	snop  }
0xa7: {  	s3 =	sshra.s32 s0, $0x2;
	v3 =	vmul.f32 v2, v1  }
0xa8: {  	v1 =	vld [tilespmem:s3+$0x3000]  }
0xa9: {  	s0 =	sadd.s32 $0x40, s0;
	v2 =	vld [tilespmem:s3+$0x1000];
	v0 =	vadd.f32 v3, v0  }
0xaa: {  	_ =	sdelay $0x1  }
0xab: {  	_ =	swait.ge [sflag:s31], $0x200  }
0xac: {  	[sflag:s31] =	ssyncset.done $0x0  }
0xad: {  	s3 =	simm.s32 $0x0;
	[sflag:s31] =	ssyncadd.s32 $0xFFFFFE00;
	v2 =	vmul.f32 v2, v1  }
0xae: {  	v1 =	vld [tilespmem:s3+$0x3200]  }
0xaf: {  	s0 =	simm.s32 $0x40;
	v0 =	vadd.f32 v2, v0;
	v2 =	vld [tilespmem:s3+$0x1200]  }
.LBB2_18:
0xb0: {  	_ = 	snop  }
0xb1: {  	p0 =	sne.s32 s0, $0x7C0  }
.Ltmp8:
0xb2: {  	_ = 	snop;
	(pc) =	sbr.rel @p0 .LBB2_18-.Ltmp8, $4  }
0xb3: {  	_ = 	snop  }
0xb4: {  	s3 =	sshra.s32 s0, $0x2;
	v3 =	vmul.f32 v2, v1  }
0xb5: {  	v1 =	vld [tilespmem:s3+$0x3200]  }
0xb6: {  	s0 =	sadd.s32 $0x40, s0;
	v2 =	vld [tilespmem:s3+$0x1200];
	v0 =	vadd.f32 v3, v0  }
0xb7: {  	_ =	sdelay $0x1  }
0xb8: {  	_ =	swait.ge [sflag:s31], $0x200  }
0xb9: {  	[sflag:s31] =	ssyncset.done $0x0  }
0xba: {  	s3 =	simm.s32 $0x0;
	[sflag:s31] =	ssyncadd.s32 $0xFFFFFE00;
	v2 =	vmul.f32 v2, v1  }
0xbb: {  	v1 =	vld [tilespmem:s3+$0x3400]  }
0xbc: {  	s0 =	simm.s32 $0x40;
	v0 =	vadd.f32 v2, v0;
	v2 =	vld [tilespmem:s3+$0x1400]  }
.LBB2_20:
0xbd: {  	_ = 	snop  }
0xbe: {  	p0 =	sne.s32 s0, $0x7C0  }
.Ltmp9:
0xbf: {  	_ = 	snop;
	(pc) =	sbr.rel @p0 .LBB2_20-.Ltmp9, $4  }
0xc0: {  	_ = 	snop  }
0xc1: {  	s3 =	sshra.s32 s0, $0x2;
	v3 =	vmul.f32 v2, v1  }
0xc2: {  	v1 =	vld [tilespmem:s3+$0x3400]  }
0xc3: {  	s0 =	sadd.s32 $0x40, s0;
	v2 =	vld [tilespmem:s3+$0x1400];
	v0 =	vadd.f32 v3, v0  }
0xc4: {  	_ =	sdelay $0x1  }
0xc5: {  	_ =	swait.ge [sflag:s31], $0x200  }
0xc6: {  	[sflag:s31] =	ssyncset.done $0x0  }
0xc7: {  	s3 =	simm.s32 $0x0;
	[sflag:s31] =	ssyncadd.s32 $0xFFFFFE00;
	v2 =	vmul.f32 v2, v1  }
0xc8: {  	v1 =	vld [tilespmem:s3+$0x3600]  }
0xc9: {  	s0 =	simm.s32 $0x40;
	v0 =	vadd.f32 v2, v0;
	v2 =	vld [tilespmem:s3+$0x1600]  }
.LBB2_22:
0xca: {  	_ = 	snop  }
0xcb: {  	p0 =	sne.s32 s0, $0x7C0  }
.Ltmp10:
0xcc: {  	_ = 	snop;
	(pc) =	sbr.rel @p0 .LBB2_22-.Ltmp10, $4  }
0xcd: {  	_ = 	snop  }
0xce: {  	s3 =	sshra.s32 s0, $0x2;
	v3 =	vmul.f32 v2, v1  }
0xcf: {  	v1 =	vld [tilespmem:s3+$0x3600]  }
0xd0: {  	s0 =	sadd.s32 $0x40, s0;
	v2 =	vld [tilespmem:s3+$0x1600];
	v0 =	vadd.f32 v3, v0  }
0xd1: {  	_ =	sdelay $0x1  }
0xd2: {  	_ =	swait.ge [sflag:s31], $0x200  }
0xd3: {  	[sflag:s31] =	ssyncset.done $0x0  }
0xd4: {  	s3 =	simm.s32 $0x0;
	[sflag:s31] =	ssyncadd.s32 $0xFFFFFE00;
	v2 =	vmul.f32 v2, v1  }
0xd5: {  	v1 =	vld [tilespmem:s3+$0x3800]  }
0xd6: {  	s0 =	simm.s32 $0x40;
	v0 =	vadd.f32 v2, v0;
	v2 =	vld [tilespmem:s3+$0x1800]  }
.LBB2_24:
0xd7: {  	_ = 	snop  }
0xd8: {  	p0 =	sne.s32 s0, $0x7C0  }
.Ltmp11:
0xd9: {  	_ = 	snop;
	(pc) =	sbr.rel @p0 .LBB2_24-.Ltmp11, $4  }
0xda: {  	_ = 	snop  }
0xdb: {  	s3 =	sshra.s32 s0, $0x2;
	v3 =	vmul.f32 v2, v1  }
0xdc: {  	v1 =	vld [tilespmem:s3+$0x3800]  }
0xdd: {  	s0 =	sadd.s32 $0x40, s0;
	v2 =	vld [tilespmem:s3+$0x1800];
	v0 =	vadd.f32 v3, v0  }
0xde: {  	_ =	sdelay $0x1  }
0xdf: {  	_ =	swait.ge [sflag:s31], $0x200  }
0xe0: {  	[sflag:s31] =	ssyncset.done $0x0  }
0xe1: {  	s3 =	simm.s32 $0x0;
	[sflag:s31] =	ssyncadd.s32 $0xFFFFFE00;
	v2 =	vmul.f32 v2, v1  }
0xe2: {  	v1 =	vld [tilespmem:s3+$0x3A00]  }
0xe3: {  	s0 =	simm.s32 $0x40;
	v0 =	vadd.f32 v2, v0;
	v2 =	vld [tilespmem:s3+$0x1A00]  }
.LBB2_26:
0xe4: {  	_ = 	snop  }
0xe5: {  	p0 =	sne.s32 s0, $0x7C0  }
.Ltmp12:
0xe6: {  	_ = 	snop;
	(pc) =	sbr.rel @p0 .LBB2_26-.Ltmp12, $4  }
0xe7: {  	_ = 	snop  }
0xe8: {  	s3 =	sshra.s32 s0, $0x2;
	v3 =	vmul.f32 v2, v1  }
0xe9: {  	v1 =	vld [tilespmem:s3+$0x3A00]  }
0xea: {  	s0 =	sadd.s32 $0x40, s0;
	v2 =	vld [tilespmem:s3+$0x1A00];
	v0 =	vadd.f32 v3, v0  }
0xeb: {  	_ =	sdelay $0x1  }
0xec: {  	_ =	swait.ge [sflag:s31], $0x200  }
0xed: {  	[sflag:s31] =	ssyncset.done $0x0  }
0xee: {  	s3 =	simm.s32 $0x0;
	[sflag:s31] =	ssyncadd.s32 $0xFFFFFE00;
	v2 =	vmul.f32 v2, v1  }
0xef: {  	v1 =	vld [tilespmem:s3+$0x3C00]  }
0xf0: {  	s0 =	simm.s32 $0x40;
	v0 =	vadd.f32 v2, v0;
	v2 =	vld [tilespmem:s3+$0x1C00]  }
.LBB2_28:
0xf1: {  	_ = 	snop  }
0xf2: {  	p0 =	sne.s32 s0, $0x7C0  }
.Ltmp13:
0xf3: {  	_ = 	snop;
	(pc) =	sbr.rel @p0 .LBB2_28-.Ltmp13, $4  }
0xf4: {  	_ = 	snop  }
0xf5: {  	s3 =	sshra.s32 s0, $0x2;
	v3 =	vmul.f32 v2, v1  }
0xf6: {  	v1 =	vld [tilespmem:s3+$0x3C00]  }
0xf7: {  	s0 =	sadd.s32 $0x40, s0;
	v2 =	vld [tilespmem:s3+$0x1C00];
	v0 =	vadd.f32 v3, v0  }
0xf8: {  	_ =	sdelay $0x1  }
0xf9: {  	_ =	swait.ge [sflag:s31], $0x200  }
0xfa: {  	[sflag:s31] =	ssyncset.done $0x0  }
0xfb: {  	s3 =	simm.s32 $0x0;
	[sflag:s31] =	ssyncadd.s32 $0xFFFFFE00;
	v2 =	vmul.f32 v2, v1  }
0xfc: {  	v1 =	vld [tilespmem:s3+$0x3E00]  }
0xfd: {  	s0 =	simm.s32 $0x40;
	v0 =	vadd.f32 v2, v0;
	v2 =	vld [tilespmem:s3+$0x1E00]  }
.LBB2_30:
0xfe: {  	_ = 	snop  }
0xff: {  	p0 =	sne.s32 s0, $0x7C0  }
.Ltmp14:
0x100: {  	_ = 	snop;
	(pc) =	sbr.rel @p0 .LBB2_30-.Ltmp14, $4  }
0x101: {  	_ = 	snop  }
0x102: {  	s3 =	sshra.s32 s0, $0x2;
	v3 =	vmul.f32 v2, v1  }
0x103: {  	v1 =	vld [tilespmem:s3+$0x3E00]  }
0x104: {  	s0 =	sadd.s32 $0x40, s0;
	v2 =	vld [tilespmem:s3+$0x1E00];
	v0 =	vadd.f32 v3, v0  }
0x105: {  	_ =	sdelay $0x1  }
0x106: {  	_ =	swait.ge [sflag:s31], $0x200  }
0x107: {  	[sflag:s31] =	ssyncset.done $0x0  }
0x108: {  	s3 =	simm.s32 $0x0;
	[sflag:s31] =	ssyncadd.s32 $0xFFFFFE00;
	v2 =	vmul.f32 v2, v1  }
0x109: {  	v1 =	vld [tilespmem:s3+$0x4000]  }
0x10a: {  	s0 =	simm.s32 $0x40;
	v0 =	vadd.f32 v2, v0;
	v2 =	vld [tilespmem:s3+$0x2000]  }
.LBB2_32:
0x10b: {  	_ = 	snop  }
0x10c: {  	p0 =	sne.s32 s0, $0x7C0  }
.Ltmp15:
0x10d: {  	_ = 	snop;
	(pc) =	sbr.rel @p0 .LBB2_32-.Ltmp15, $4  }
0x10e: {  	_ = 	snop  }
0x10f: {  	s3 =	sshra.s32 s0, $0x2;
	v3 =	vmul.f32 v2, v1  }
0x110: {  	v1 =	vld [tilespmem:s3+$0x4000]  }
0x111: {  	s0 =	sadd.s32 $0x40, s0;
	v2 =	vld [tilespmem:s3+$0x2000];
	v0 =	vadd.f32 v3, v0  }
0x112: {  	_ =	sdelay $0x1  }
0x113: {  	_ =	swait.ge [sflag:s31], $0x200  }
0x114: {  	[sflag:s31] =	ssyncset.done $0x0  }
0x115: {  	s3 =	simm.s32 $0x0;
	[sflag:s31] =	ssyncadd.s32 $0xFFFFFE00;
	v2 =	vmul.f32 v2, v1  }
0x116: {  	v1 =	vld [tilespmem:s3+$0x4200]  }
0x117: {  	s0 =	simm.s32 $0x40;
	v0 =	vadd.f32 v2, v0;
	v2 =	vld [tilespmem:s3+$0x2200]  }
.LBB2_34:
0x118: {  	_ = 	snop  }
0x119: {  	p0 =	sne.s32 s0, $0x7C0  }
.Ltmp16:
0x11a: {  	_ = 	snop;
	(pc) =	sbr.rel @p0 .LBB2_34-.Ltmp16, $4  }
0x11b: {  	_ = 	snop  }
0x11c: {  	s3 =	sshra.s32 s0, $0x2;
	v3 =	vmul.f32 v2, v1  }
0x11d: {  	v1 =	vld [tilespmem:s3+$0x4200]  }
0x11e: {  	s0 =	sadd.s32 $0x40, s0;
	v2 =	vld [tilespmem:s3+$0x2200];
	v0 =	vadd.f32 v3, v0  }
0x11f: {  	_ =	sdelay $0x3  }
0x120: {  	v1 =	vmul.f32 v2, v1;
	_ =	sdelay $0x1  }
0x121: {  	v0 =	vadd.f32 v1, v0;
	_ =	sdelay $0x1  }
0x122: {  	s0 =	simm.s32 $0x4600;
	[tilespmem:$0x4600] =	vst v0  }
0x123: {  	[hbm4b:s22+s2] =	stream.linear.scatter [tilespmem:s0], [sflag:$0x3], $0x10, $0x38;
	[tilespmem:$0x4610] =	vst v63  }
0x124: {  	_ =	swait.ge [sflag:s25], $0x10  }
0x125: {  	[sflag:s25] =	ssyncset.done $0x0  }
0x126: {  	[sflag:s25] =	ssyncadd.s32 $0xFFFFFFF0  }
0x127: {  	_ =	swait.ge [sflag:s30], $0x80  }
0x128: {  	[sflag:s30] =	ssyncset.done $0x0  }
0x129: {  	[sflag:s30] =	ssyncadd.s32 $0xFFFFFF80  }
0x12a: {  	_ =	swait.ge [sflag:s30], $0x80  }
0x12b: {  	[sflag:s30] =	ssyncset.done $0x0  }
0x12c: {  	[sflag:s30] =	ssyncadd.s32 $0xFFFFFF80  }
0x12d: {  	_ =	swait.ge [sflag:s30], $0x80  }
0x12e: {  	[sflag:s30] =	ssyncset.done $0x0  }
0x12f: {  	[sflag:s30] =	ssyncadd.s32 $0xFFFFFF80  }
0x130: {  	s29 =	sadd.s32 $0x1, s29;
	_ =	swait.ge [sflag:s30], $0x80  }
0x131: {  	p0 =	sne.s32 s29, s24;
	[sflag:s30] =	ssyncset.done $0x0  }
.Ltmp17:
0x132: {  	[sflag:s30] =	ssyncadd.s32 $0xFFFFFF80;
	(pc) =	sbr.rel @p0 .LBB2_1-.Ltmp17, $4  }
0x133: {  	[hbm4b:s23+s2] =	stream.linear.scatter [tilespmem:s26], [sflag:$0x3], $0x200, $0x38;
	[tilespmem:$0x4610] =	vst v63  }
0x134: {  	_ =	swait.ge [sflag:s25], $0x200  }
0x135: {  	[sflag:s25] =	ssyncset.done $0x0  }
0x136: {  	[sflag:s25] =	ssyncadd.s32 $0xFFFFFE00  }
0x137: {  	_ =	sfence.sel $0x180000  }
0x138: {  	[bflag:$0x0] =	sbarrier.arrive $0xFFFF  }
0x139: {  	_ =	strace $0x9000004A  }
0x13a: {  	s0 =	stileid.u32;
	[bflag:$0x2] =	sbarrier.arrive $0xFFFF  }
0x13b: {  	p0 =	sne.s32 s0, $0x0;
	s0 =	rddreg [dreg:$0x2]  }
0x13c: {  	s0 =	sadd.s32 @!p0 $0x100000, s0  }
0x13d: {  	[sflag:s0] =	ssyncadd.tile.s32 @!p0 $0x1;
	_ =	shalt  }
.Lfunc_end2:
_tile_overlayer_lowered:
.L_overlay_start_2:
0x13e: {  	(tag) =	ssettag $0x2  }
0x13f: {  	s0 =	rddreg [dreg:$0x0];
	s2 =	stileid.u32  }
0x140: {  	s1 =	rddreg [dreg:$0x1];
	p0 =	sne.s32 s2, $0x0  }
0x141: {  	s3 =	rddreg [dreg:$0x2];
	[bflag:$0x3] =	sbarrier.arrive $0xFFFF;
	s2 =	simm.s32 @!p0 $0x1C03  }
0x142: {  	[timem:s3], [sflag:s2] =	dma.local @!p0 [hbm:s0], s1  }
0x143: {  	s0 =	simm.s32 @!p0 $0x3  }
0x144: {  	_ =	swait.ge @!p0 [sflag:s0], s1  }
0x145: {  	s1 =	ssub.s32 @!p0 $0x0, s1;
	[sflag:s0] =	ssyncset.done @!p0 $0x0  }
0x146: {  	[sflag:s0] =	ssyncadd.s32 @!p0 s1  }
0x147: {  	[bflag:$0x3] =	sbarrier.arrive $0xFFFF  }
0x148: {  	_ =	shalt  }

</sc_bundles>
